<compile_context>
chip_gen: v7x
topology: tpu7x:2x2x1
jax: 0.10.2.dev20260603
libtpu: 0.0.44.dev20260713+nightly
codegen_flags: <defaults>
</compile_context>

<pallas_src>
import functools

import jax
import jax.numpy as jnp
from jax import lax
from jax.experimental import pallas as pl
from jax.experimental.pallas import tpu as pltpu
from jax.experimental.pallas import tpu_sc as plsc

_N = 4096
_M = 4096
_E = 64
_B = 8192

_NC = 2
_NS = 16
_NW = _NC * _NS
_RPW = _B // _NW
_G = 4
_NBUF = 2
_NGP = _RPW // _G
_NIT = _NGP // _NBUF
_ECH = _E // 16
_GCH = _G * _ECH
_GW = 128
_GPW = _G * _E


def _body(x_hbm, ind_hbm, val_hbm, bias_hbm, out_hbm,
          ind_v, val_v, bias_v, biasd_v, idx_v, xg_v,
          b0, b1, os0, os1, gs0, gs1, sem_b):
    bufs = [b0, b1]
    osems = [os0, os1]
    gsems = [gs0, gs1]
    cid = lax.axis_index("c")
    sid = lax.axis_index("s")
    wid = sid * _NC + cid
    base = wid * _RPW

    pltpu.make_async_copy(val_hbm, val_v, sem_b).start()
    pltpu.make_async_copy(bias_hbm, bias_v, sem_b).start()
    for i in range(_NBUF):
        sem = sem_b if i == 0 else osems[i]
        for r in range(_G):
            pltpu.make_async_copy(
                bias_hbm, bufs[i].at[pl.ds(r * _M, _M)], sem).start()
    pltpu.sync_copy(ind_hbm, ind_v)

    def mk_idx(r, _):
        rb = (base + r) * _N
        for kk in range(_ECH):
            src_c = ind_v[0, pl.ds(kk * 16, 16)]
            idx_v[pl.ds(r * _E + kk * 16, 16)] = src_c + jnp.full(
                (16,), rb, jnp.int32)
        return 0

    lax.fori_loop(0, _RPW, mk_idx, 0)

    def g_copy(off, sem):
        return pltpu.make_async_copy(
            x_hbm.at[idx_v.at[pl.ds(off, _GW)]],
            xg_v.at[pl.ds(off, _GW)], sem)

    def g_fire(g, sem):
        for c in range(_GPW // _GW):
            g_copy(g * _GPW + c * _GW, sem).start()

    def g_drain(sem):
        for c in range(_GPW // _GW):
            g_copy(0, sem).wait()

    for i in range(_NBUF):
        g_fire(i, gsems[i])

    pltpu.make_async_copy(val_hbm, val_v, sem_b).wait()
    pltpu.make_async_copy(bias_hbm, bias_v, sem_b).wait()
    for r in range(_G):
        pltpu.make_async_copy(
            bias_hbm, bufs[0].at[pl.ds(0, _M)], sem_b).wait()

    for kk in range(_ECH):
        dst_c = ind_v[1, pl.ds(kk * 16, 16)]
        biasd_v[pl.ds(kk * 16, 16)] = plsc.load_gather(bias_v, [dst_c])

    def scatter_group(buf, g):
        for k in range(_GCH):
            rl = k // _ECH
            kk = k % _ECH
            fc = ind_v[1, pl.ds(kk * 16, 16)] + jnp.full(
                (16,), rl * _M, jnp.int32)
            bd = biasd_v[pl.ds(kk * 16, 16)]
            cc = (xg_v[pl.ds(g * _GPW + k * 16, 16)]
                  * val_v[pl.ds(kk * 16, 16)])
            plsc.store_scatter(buf, [fc], bd)
            plsc.addupdate_scatter(buf, [fc], cc)

    def ring_step(it, _):
        for i in range(_NBUF):
            g = _NBUF * it + i

            @pl.when(it > 0)
            def _wait_out():
                pltpu.make_async_copy(
                    bufs[i], out_hbm.at[pl.ds(base * _M, _G * _M)],
                    osems[i]).wait()

            if i > 0:
                @pl.when(it == 0)
                def _wait_fills():
                    for r in range(_G):
                        pltpu.make_async_copy(
                            bias_hbm, bufs[i].at[pl.ds(0, _M)],
                            osems[i]).wait()

            g_drain(gsems[i])
            scatter_group(bufs[i], g)
            pltpu.make_async_copy(
                bufs[i], out_hbm.at[pl.ds((base + g * _G) * _M, _G * _M)],
                osems[i]).start()

            @pl.when(it < _NIT - 1)
            def _prefetch():
                g_fire(g + _NBUF, gsems[i])

        return 0

    lax.fori_loop(0, _NIT, ring_step, 0)

    for i in range(_NBUF):
        pltpu.make_async_copy(
            bufs[i], out_hbm.at[pl.ds(base * _M, _G * _M)], osems[i]).wait()


@functools.partial(jax.jit, static_argnames=())
def _sc_sparse_linear(x_flat, indices, values, bias_flat):
    mesh = plsc.VectorSubcoreMesh(core_axis_name="c", subcore_axis_name="s")
    kfn = functools.partial(
        pl.kernel, mesh=mesh,
        compiler_params=pltpu.CompilerParams(needs_layout_passes=False),
        out_type=jax.ShapeDtypeStruct((_B * _M,), jnp.float32),
        scratch_types=[
            pltpu.VMEM((2, _E), jnp.int32),
            pltpu.VMEM((_E,), jnp.float32),
            pltpu.VMEM((_M,), jnp.float32),
            pltpu.VMEM((_E,), jnp.float32),
            pltpu.VMEM((_RPW * _E,), jnp.int32),
            pltpu.VMEM((_RPW * _E,), jnp.float32),
            pltpu.VMEM((_G * _M,), jnp.float32),
            pltpu.VMEM((_G * _M,), jnp.float32),
            pltpu.SemaphoreType.DMA,
            pltpu.SemaphoreType.DMA,
            pltpu.SemaphoreType.DMA,
            pltpu.SemaphoreType.DMA,
            pltpu.SemaphoreType.DMA,
        ],
    )(_body)
    return kfn(x_flat, indices, values, bias_flat)


def kernel(x, indices, values, bias):
    Bn, Nn, _ = x.shape
    Mn = bias.shape[0]
    x_flat = x.reshape(Bn * Nn)
    out = _sc_sparse_linear(
        x_flat, indices.astype(jnp.int32), values, bias.reshape(Mn))
    return out.reshape(Bn, Mn, 1)

# --- scband reference (transcript-rebuilt; emitter-appended) ---
"""Pipeline reference for scband-sparse-linear2-26018911879781 (READ-ONLY COPY).

The authoritative reference and input builder live on the scoring server;
editing this copy changes nothing except your own understanding.
"""

import jax, jax.numpy as jnp
import numpy as np

N = 4096
M = 4096
E = 64
B = 8192
D = 4096


def setup_inputs(seed: int = 0) -> dict:
    key = jax.random.key(seed)
    k1, k2 = jax.random.split(key)
    x = jax.random.normal(k1, (B, N, 1), dtype=jnp.float32)
    # Fixed sparse connectivity (same arithmetic-sequence pattern as init_kwargs)
    src = (jnp.arange(E) * 64).astype(jnp.int32)
    dst = (jnp.arange(E) * 63).astype(jnp.int32)
    indices = jnp.stack([src, dst], axis=0)
    # Kaiming-scaled sparse weight values (parameter)
    values = jax.random.normal(k2, (E,), dtype=jnp.float32) * (2.0 / D) ** 0.5
    # Bias parameter, shape (M, 1)
    bias = jnp.zeros((M, 1), dtype=jnp.float32)
    return {"x": x, "indices": indices, "values": values, "bias": bias}


def reference(x, indices, values, bias):
    Bn = x.shape[0]
    src = indices[0]
    dst = indices[1]
    offs = jnp.arange(Bn, dtype=indices.dtype)
    # Batched edge index: torch_geometric-style concatenated graphs with incremented node idx
    src_b = (src[None, :] + offs[:, None] * N).reshape(-1)
    dst_b = (dst[None, :] + offs[:, None] * M).reshape(-1)
    # edge_weight = values[edge_id] where edge_id = arange(E) repeated B times
    edge_weight = jnp.tile(values, Bn)
    x_flat = x.reshape(-1)
    # message: edge_weight * x_j  (gather on src)
    msg = edge_weight * jnp.take(x_flat, src_b, axis=0)
    # aggregate: scatter-add into (M * B) destination nodes
    out = jax.ops.segment_sum(msg, dst_b, num_segments=Bn * M)
    # bias = self.bias[bias_idx], bias_idx = arange(M) repeated B times
    bias_flat = jnp.tile(bias.reshape(-1), Bn)
    out = out + bias_flat
    return out.reshape(Bn, M, 1)

if __name__ == "__main__":
    import jax
    _d = setup_inputs()
    print(jax.jit(kernel)(*tuple(_d.values())))

</pallas_src>

<mosaic_0001>
#map = affine_map<(d0, d1) -> (0)>
#map1 = affine_map<(d0, d1) -> (0, 0)>
module attributes {stable_mosaic.version = 14 : i64} {
  func.func @_body(%arg0: i32, %arg1: i32, %arg2: memref<33554432xf32, #tpu.memory_space<hbm>>, %arg3: memref<2x64xi32, #tpu.memory_space<hbm>>, %arg4: memref<64xf32, #tpu.memory_space<hbm>>, %arg5: memref<4096xf32, #tpu.memory_space<hbm>>, %arg6: memref<33554432xf32, #tpu.memory_space<hbm>>, %arg7: memref<2x64xi32, #tpu.memory_space<vmem>>, %arg8: memref<64xf32, #tpu.memory_space<vmem>>, %arg9: memref<4096xf32, #tpu.memory_space<vmem>>, %arg10: memref<64xf32, #tpu.memory_space<vmem>>, %arg11: memref<16384xi32, #tpu.memory_space<vmem>>, %arg12: memref<16384xf32, #tpu.memory_space<vmem>>, %arg13: memref<16384xf32, #tpu.memory_space<vmem>>, %arg14: memref<16384xf32, #tpu.memory_space<vmem>>, %arg15: memref<!tpu.dma_semaphore, #tpu.memory_space<semaphore_mem>>, %arg16: memref<!tpu.dma_semaphore, #tpu.memory_space<semaphore_mem>>, %arg17: memref<!tpu.dma_semaphore, #tpu.memory_space<semaphore_mem>>, %arg18: memref<!tpu.dma_semaphore, #tpu.memory_space<semaphore_mem>>, %arg19: memref<!tpu.dma_semaphore, #tpu.memory_space<semaphore_mem>>) attributes {dimension_semantics = [#tpu.dimension_semantics<core_parallel>, #tpu.dimension_semantics<subcore_parallel>], iteration_bounds = array<i64: 2, 16>, scalar_prefetch = 0 : i64, scratch_operands = 13 : i64, tpu.core_type = #tpu.core_type<sc_vector_subcore>, window_params = [{transform_indices = #map}, {transform_indices = #map1}, {transform_indices = #map}, {transform_indices = #map}, {transform_indices = #map}]} {
    %mul3A = arith.constant 2 : i32
    %mul3A_0 = arith.muli %arg1, %mul3A : i32
    %add3A = arith.addi %mul3A_0, %arg0 : i32
    %mul3A_1 = arith.constant 256 : i32
    %mul3A_2 = arith.muli %add3A, %mul3A_1 : i32
    tpu.enqueue_dma source(%arg4 : memref<64xf32, #tpu.memory_space<hbm>>) target(%arg8 : memref<64xf32, #tpu.memory_space<vmem>>) target_semaphore(%arg19 : memref<!tpu.dma_semaphore, #tpu.memory_space<semaphore_mem>>)
    tpu.enqueue_dma source(%arg5 : memref<4096xf32, #tpu.memory_space<hbm>>) target(%arg9 : memref<4096xf32, #tpu.memory_space<vmem>>) target_semaphore(%arg19 : memref<!tpu.dma_semaphore, #tpu.memory_space<semaphore_mem>>)
    %dma_start3A = arith.constant 0 : i32
    %dma_start3A_3 = tpu.memref_slice %arg13[%dma_start3A] : memref<16384xf32, #tpu.memory_space<vmem>> -> memref<4096xf32, #tpu.memory_space<vmem>>
    %dma_start3A_4 = arith.constant 0 : i32
    %dma_start3A_5 = tpu.memref_slice %arg13[%dma_start3A_4] : memref<16384xf32, #tpu.memory_space<vmem>> -> memref<4096xf32, #tpu.memory_space<vmem>>
    tpu.enqueue_dma source(%arg5 : memref<4096xf32, #tpu.memory_space<hbm>>) target(%dma_start3A_5 : memref<4096xf32, #tpu.memory_space<vmem>>) target_semaphore(%arg19 : memref<!tpu.dma_semaphore, #tpu.memory_space<semaphore_mem>>)
    %dma_start3A_6 = arith.constant 4096 : i32
    %dma_start3A_7 = tpu.memref_slice %arg13[%dma_start3A_6] : memref<16384xf32, #tpu.memory_space<vmem>> -> memref<4096xf32, #tpu.memory_space<vmem>>
    %dma_start3A_8 = arith.constant 4096 : i32
    %dma_start3A_9 = tpu.memref_slice %arg13[%dma_start3A_8] : memref<16384xf32, #tpu.memory_space<vmem>> -> memref<4096xf32, #tpu.memory_space<vmem>>
    tpu.enqueue_dma source(%arg5 : memref<4096xf32, #tpu.memory_space<hbm>>) target(%dma_start3A_9 : memref<4096xf32, #tpu.memory_space<vmem>>) target_semaphore(%arg19 : memref<!tpu.dma_semaphore, #tpu.memory_space<semaphore_mem>>)
    %dma_start3A_10 = arith.constant 8192 : i32
    %dma_start3A_11 = tpu.memref_slice %arg13[%dma_start3A_10] : memref<16384xf32, #tpu.memory_space<vmem>> -> memref<4096xf32, #tpu.memory_space<vmem>>
    %dma_start3A_12 = arith.constant 8192 : i32
    %dma_start3A_13 = tpu.memref_slice %arg13[%dma_start3A_12] : memref<16384xf32, #tpu.memory_space<vmem>> -> memref<4096xf32, #tpu.memory_space<vmem>>
    tpu.enqueue_dma source(%arg5 : memref<4096xf32, #tpu.memory_space<hbm>>) target(%dma_start3A_13 : memref<4096xf32, #tpu.memory_space<vmem>>) target_semaphore(%arg19 : memref<!tpu.dma_semaphore, #tpu.memory_space<semaphore_mem>>)
    %dma_start3A_14 = arith.constant 12288 : i32
    %dma_start3A_15 = tpu.memref_slice %arg13[%dma_start3A_14] : memref<16384xf32, #tpu.memory_space<vmem>> -> memref<4096xf32, #tpu.memory_space<vmem>>
    %dma_start3A_16 = arith.constant 12288 : i32
    %dma_start3A_17 = tpu.memref_slice %arg13[%dma_start3A_16] : memref<16384xf32, #tpu.memory_space<vmem>> -> memref<4096xf32, #tpu.memory_space<vmem>>
    tpu.enqueue_dma source(%arg5 : memref<4096xf32, #tpu.memory_space<hbm>>) target(%dma_start3A_17 : memref<4096xf32, #tpu.memory_space<vmem>>) target_semaphore(%arg19 : memref<!tpu.dma_semaphore, #tpu.memory_space<semaphore_mem>>)
    %dma_start3A_18 = arith.constant 0 : i32
    %dma_start3A_19 = tpu.memref_slice %arg14[%dma_start3A_18] : memref<16384xf32, #tpu.memory_space<vmem>> -> memref<4096xf32, #tpu.memory_space<vmem>>
    %dma_start3A_20 = arith.constant 0 : i32
    %dma_start3A_21 = tpu.memref_slice %arg14[%dma_start3A_20] : memref<16384xf32, #tpu.memory_space<vmem>> -> memref<4096xf32, #tpu.memory_space<vmem>>
    tpu.enqueue_dma source(%arg5 : memref<4096xf32, #tpu.memory_space<hbm>>) target(%dma_start3A_21 : memref<4096xf32, #tpu.memory_space<vmem>>) target_semaphore(%arg16 : memref<!tpu.dma_semaphore, #tpu.memory_space<semaphore_mem>>)
    %dma_start3A_22 = arith.constant 4096 : i32
    %dma_start3A_23 = tpu.memref_slice %arg14[%dma_start3A_22] : memref<16384xf32, #tpu.memory_space<vmem>> -> memref<4096xf32, #tpu.memory_space<vmem>>
    %dma_start3A_24 = arith.constant 4096 : i32
    %dma_start3A_25 = tpu.memref_slice %arg14[%dma_start3A_24] : memref<16384xf32, #tpu.memory_space<vmem>> -> memref<4096xf32, #tpu.memory_space<vmem>>
    tpu.enqueue_dma source(%arg5 : memref<4096xf32, #tpu.memory_space<hbm>>) target(%dma_start3A_25 : memref<4096xf32, #tpu.memory_space<vmem>>) target_semaphore(%arg16 : memref<!tpu.dma_semaphore, #tpu.memory_space<semaphore_mem>>)
    %dma_start3A_26 = arith.constant 8192 : i32
    %dma_start3A_27 = tpu.memref_slice %arg14[%dma_start3A_26] : memref<16384xf32, #tpu.memory_space<vmem>> -> memref<4096xf32, #tpu.memory_space<vmem>>
    %dma_start3A_28 = arith.constant 8192 : i32
    %dma_start3A_29 = tpu.memref_slice %arg14[%dma_start3A_28] : memref<16384xf32, #tpu.memory_space<vmem>> -> memref<4096xf32, #tpu.memory_space<vmem>>
    tpu.enqueue_dma source(%arg5 : memref<4096xf32, #tpu.memory_space<hbm>>) target(%dma_start3A_29 : memref<4096xf32, #tpu.memory_space<vmem>>) target_semaphore(%arg16 : memref<!tpu.dma_semaphore, #tpu.memory_space<semaphore_mem>>)
    %dma_start3A_30 = arith.constant 12288 : i32
    %dma_start3A_31 = tpu.memref_slice %arg14[%dma_start3A_30] : memref<16384xf32, #tpu.memory_space<vmem>> -> memref<4096xf32, #tpu.memory_space<vmem>>
    %dma_start3A_32 = arith.constant 12288 : i32
    %dma_start3A_33 = tpu.memref_slice %arg14[%dma_start3A_32] : memref<16384xf32, #tpu.memory_space<vmem>> -> memref<4096xf32, #tpu.memory_space<vmem>>
    tpu.enqueue_dma source(%arg5 : memref<4096xf32, #tpu.memory_space<hbm>>) target(%dma_start3A_33 : memref<4096xf32, #tpu.memory_space<vmem>>) target_semaphore(%arg16 : memref<!tpu.dma_semaphore, #tpu.memory_space<semaphore_mem>>)
    "tpu.region"() ({
      %run_scoped3A = tpu.sem_alloc : memref<!tpu.dma_semaphore, #tpu.memory_space<semaphore_mem>>
      tpu.enqueue_dma source(%arg3 : memref<2x64xi32, #tpu.memory_space<hbm>>) target(%arg7 : memref<2x64xi32, #tpu.memory_space<vmem>>) target_semaphore(%run_scoped3A : memref<!tpu.dma_semaphore, #tpu.memory_space<semaphore_mem>>)
      tpu.wait_dma2 semaphore(%run_scoped3A : memref<!tpu.dma_semaphore, #tpu.memory_space<semaphore_mem>>) src(%arg3 : memref<2x64xi32, #tpu.memory_space<hbm>>) dst(%arg7 : memref<2x64xi32, #tpu.memory_space<vmem>>)
      tpu.yield
    }) : () -> ()
    %scan3A = arith.constant 0 : i32
    %scan3A_34 = arith.constant 0 : i32
    %scan3A_35 = arith.constant 256 : i32
    %scan3A_36 = arith.addi %scan3A_34, %scan3A_35 : i32
    %scan3A_37 = arith.constant 1 : i32
    %scan3A_38 = scf.for %scan3A_119 = %scan3A_34 to %scan3A_36 step %scan3A_37 iter_args(%scan3A_120 = %scan3A) -> (i32)  : i32 {
      %add3A_121 = arith.addi %mul3A_2, %scan3A_119 : i32
      %mul3A_122 = arith.constant 4096 : i32
      %mul3A_123 = arith.muli %add3A_121, %mul3A_122 : i32
      %get3A_124 = arith.constant 0 : i32
      %get3A_125 = arith.index_cast %get3A_124 : i32 to index
      %get3A_126 = arith.constant 0 : index
      %get3A_127 = tpu.vector_load %arg7[%get3A_125, %get3A_126] {strides = array<i32>} : memref<2x64xi32, #tpu.memory_space<vmem>>, vector<16xi32>,
      %broadcast_in_dim3A = vector.broadcast %mul3A_123 : i32 to vector<16xi32>
      %add3A_128 = arith.addi %get3A_127, %broadcast_in_dim3A : vector<16xi32>
      %mul3A_129 = arith.constant 64 : i32
      %mul3A_130 = arith.muli %scan3A_119, %mul3A_129 : i32
      %add3A_131 = arith.constant 0 : i32
      %add3A_132 = arith.addi %mul3A_130, %add3A_131 : i32
      %swap3A_133 = arith.index_cast %add3A_132 : i32 to index
      %swap3A_134 = tpu.vector_load %arg11[%swap3A_133] {strides = array<i32>} : memref<16384xi32, #tpu.memory_space<vmem>>, vector<16xi32>,
      tpu.vector_store %arg11[%swap3A_133], %add3A_128 {strides = array<i32>} : memref<16384xi32, #tpu.memory_space<vmem>>, vector<16xi32>,
      %get3A_135 = arith.constant 0 : i32
      %get3A_136 = arith.index_cast %get3A_135 : i32 to index
      %get3A_137 = arith.constant 16 : index
      %get3A_138 = tpu.vector_load %arg7[%get3A_136, %get3A_137] {strides = array<i32>} : memref<2x64xi32, #tpu.memory_space<vmem>>, vector<16xi32>,
      %broadcast_in_dim3A_139 = vector.broadcast %mul3A_123 : i32 to vector<16xi32>
      %add3A_140 = arith.addi %get3A_138, %broadcast_in_dim3A_139 : vector<16xi32>
      %mul3A_141 = arith.constant 64 : i32
      %mul3A_142 = arith.muli %scan3A_119, %mul3A_141 : i32
      %add3A_143 = arith.constant 16 : i32
      %add3A_144 = arith.addi %mul3A_142, %add3A_143 : i32
      %swap3A_145 = arith.index_cast %add3A_144 : i32 to index
      %swap3A_146 = tpu.vector_load %arg11[%swap3A_145] {strides = array<i32>} : memref<16384xi32, #tpu.memory_space<vmem>>, vector<16xi32>,
      tpu.vector_store %arg11[%swap3A_145], %add3A_140 {strides = array<i32>} : memref<16384xi32, #tpu.memory_space<vmem>>, vector<16xi32>,
      %get3A_147 = arith.constant 0 : i32
      %get3A_148 = arith.index_cast %get3A_147 : i32 to index
      %get3A_149 = arith.constant 32 : index
      %get3A_150 = tpu.vector_load %arg7[%get3A_148, %get3A_149] {strides = array<i32>} : memref<2x64xi32, #tpu.memory_space<vmem>>, vector<16xi32>,
      %broadcast_in_dim3A_151 = vector.broadcast %mul3A_123 : i32 to vector<16xi32>
      %add3A_152 = arith.addi %get3A_150, %broadcast_in_dim3A_151 : vector<16xi32>
      %mul3A_153 = arith.constant 64 : i32
      %mul3A_154 = arith.muli %scan3A_119, %mul3A_153 : i32
      %add3A_155 = arith.constant 32 : i32
      %add3A_156 = arith.addi %mul3A_154, %add3A_155 : i32
      %swap3A_157 = arith.index_cast %add3A_156 : i32 to index
      %swap3A_158 = tpu.vector_load %arg11[%swap3A_157] {strides = array<i32>} : memref<16384xi32, #tpu.memory_space<vmem>>, vector<16xi32>,
      tpu.vector_store %arg11[%swap3A_157], %add3A_152 {strides = array<i32>} : memref<16384xi32, #tpu.memory_space<vmem>>, vector<16xi32>,
      %get3A_159 = arith.constant 0 : i32
      %get3A_160 = arith.index_cast %get3A_159 : i32 to index
      %get3A_161 = arith.constant 48 : index
      %get3A_162 = tpu.vector_load %arg7[%get3A_160, %get3A_161] {strides = array<i32>} : memref<2x64xi32, #tpu.memory_space<vmem>>, vector<16xi32>,
      %broadcast_in_dim3A_163 = vector.broadcast %mul3A_123 : i32 to vector<16xi32>
      %add3A_164 = arith.addi %get3A_162, %broadcast_in_dim3A_163 : vector<16xi32>
      %mul3A_165 = arith.constant 64 : i32
      %mul3A_166 = arith.muli %scan3A_119, %mul3A_165 : i32
      %add3A_167 = arith.constant 48 : i32
      %add3A_168 = arith.addi %mul3A_166, %add3A_167 : i32
      %swap3A_169 = arith.index_cast %add3A_168 : i32 to index
      %swap3A_170 = tpu.vector_load %arg11[%swap3A_169] {strides = array<i32>} : memref<16384xi32, #tpu.memory_space<vmem>>, vector<16xi32>,
      tpu.vector_store %arg11[%swap3A_169], %add3A_164 {strides = array<i32>} : memref<16384xi32, #tpu.memory_space<vmem>>, vector<16xi32>,
      %scan3A_171 = arith.constant 0 : i32
      scf.yield %scan3A_171 : i32
    }
    %scan3A_39 = arith.constant 256 : i32
    %dma_start3A_40 = arith.constant 0 : i32
    %dma_start3A_41 = tpu.memref_slice %arg12[%dma_start3A_40] : memref<16384xf32, #tpu.memory_space<vmem>> -> memref<128xf32, #tpu.memory_space<vmem>>
    %dma_start3A_42 = arith.constant 0 : i32
    %dma_start3A_43 = tpu.memref_slice %arg11[%dma_start3A_42] : memref<16384xi32, #tpu.memory_space<vmem>> -> memref<128xi32, #tpu.memory_space<vmem>>
    %dma_start3A_44 = arith.constant 0 : i32
    %dma_start3A_45 = tpu.memref_slice %arg2[%dma_start3A_44] : memref<33554432xf32, #tpu.memory_space<hbm>> -> memref<33554432xf32, #tpu.memory_space<hbm>>
    tpu.enqueue_indirect_dma source(%dma_start3A_45 : memref<33554432xf32, #tpu.memory_space<hbm>>) target(%dma_start3A_41 : memref<128xf32, #tpu.memory_space<vmem>>) offsets(%dma_start3A_43 : memref<128xi32, #tpu.memory_space<vmem>>) semaphore(%arg17 : memref<!tpu.dma_semaphore, #tpu.memory_space<semaphore_mem>>)
    %dma_start3A_46 = arith.constant 128 : i32
    %dma_start3A_47 = tpu.memref_slice %arg12[%dma_start3A_46] : memref<16384xf32, #tpu.memory_space<vmem>> -> memref<128xf32, #tpu.memory_space<vmem>>
    %dma_start3A_48 = arith.constant 128 : i32
    %dma_start3A_49 = tpu.memref_slice %arg11[%dma_start3A_48] : memref<16384xi32, #tpu.memory_space<vmem>> -> memref<128xi32, #tpu.memory_space<vmem>>
    %dma_start3A_50 = arith.constant 0 : i32
    %dma_start3A_51 = tpu.memref_slice %arg2[%dma_start3A_50] : memref<33554432xf32, #tpu.memory_space<hbm>> -> memref<33554432xf32, #tpu.memory_space<hbm>>
    tpu.enqueue_indirect_dma source(%dma_start3A_51 : memref<33554432xf32, #tpu.memory_space<hbm>>) target(%dma_start3A_47 : memref<128xf32, #tpu.memory_space<vmem>>) offsets(%dma_start3A_49 : memref<128xi32, #tpu.memory_space<vmem>>) semaphore(%arg17 : memref<!tpu.dma_semaphore, #tpu.memory_space<semaphore_mem>>)
    %dma_start3A_52 = arith.constant 256 : i32
    %dma_start3A_53 = tpu.memref_slice %arg12[%dma_start3A_52] : memref<16384xf32, #tpu.memory_space<vmem>> -> memref<128xf32, #tpu.memory_space<vmem>>
    %dma_start3A_54 = arith.constant 256 : i32
    %dma_start3A_55 = tpu.memref_slice %arg11[%dma_start3A_54] : memref<16384xi32, #tpu.memory_space<vmem>> -> memref<128xi32, #tpu.memory_space<vmem>>
    %dma_start3A_56 = arith.constant 0 : i32
    %dma_start3A_57 = tpu.memref_slice %arg2[%dma_start3A_56] : memref<33554432xf32, #tpu.memory_space<hbm>> -> memref<33554432xf32, #tpu.memory_space<hbm>>
    tpu.enqueue_indirect_dma source(%dma_start3A_57 : memref<33554432xf32, #tpu.memory_space<hbm>>) target(%dma_start3A_53 : memref<128xf32, #tpu.memory_space<vmem>>) offsets(%dma_start3A_55 : memref<128xi32, #tpu.memory_space<vmem>>) semaphore(%arg18 : memref<!tpu.dma_semaphore, #tpu.memory_space<semaphore_mem>>)
    %dma_start3A_58 = arith.constant 384 : i32
    %dma_start3A_59 = tpu.memref_slice %arg12[%dma_start3A_58] : memref<16384xf32, #tpu.memory_space<vmem>> -> memref<128xf32, #tpu.memory_space<vmem>>
    %dma_start3A_60 = arith.constant 384 : i32
    %dma_start3A_61 = tpu.memref_slice %arg11[%dma_start3A_60] : memref<16384xi32, #tpu.memory_space<vmem>> -> memref<128xi32, #tpu.memory_space<vmem>>
    %dma_start3A_62 = arith.constant 0 : i32
    %dma_start3A_63 = tpu.memref_slice %arg2[%dma_start3A_62] : memref<33554432xf32, #tpu.memory_space<hbm>> -> memref<33554432xf32, #tpu.memory_space<hbm>>
    tpu.enqueue_indirect_dma source(%dma_start3A_63 : memref<33554432xf32, #tpu.memory_space<hbm>>) target(%dma_start3A_59 : memref<128xf32, #tpu.memory_space<vmem>>) offsets(%dma_start3A_61 : memref<128xi32, #tpu.memory_space<vmem>>) semaphore(%arg18 : memref<!tpu.dma_semaphore, #tpu.memory_space<semaphore_mem>>)
    tpu.wait_dma2 semaphore(%arg19 : memref<!tpu.dma_semaphore, #tpu.memory_space<semaphore_mem>>) src(%arg4 : memref<64xf32, #tpu.memory_space<hbm>>) dst(%arg8 : memref<64xf32, #tpu.memory_space<vmem>>)
    tpu.wait_dma2 semaphore(%arg19 : memref<!tpu.dma_semaphore, #tpu.memory_space<semaphore_mem>>) src(%arg5 : memref<4096xf32, #tpu.memory_space<hbm>>) dst(%arg9 : memref<4096xf32, #tpu.memory_space<vmem>>)
    %dma_wait3A = arith.constant 0 : i32
    %dma_wait3A_64 = tpu.memref_slice %arg13[%dma_wait3A] : memref<16384xf32, #tpu.memory_space<vmem>> -> memref<4096xf32, #tpu.memory_space<vmem>>
    %dma_wait3A_65 = arith.constant 0 : i32
    %dma_wait3A_66 = tpu.memref_slice %arg13[%dma_wait3A_65] : memref<16384xf32, #tpu.memory_space<vmem>> -> memref<4096xf32, #tpu.memory_space<vmem>>
    tpu.wait_dma2 semaphore(%arg19 : memref<!tpu.dma_semaphore, #tpu.memory_space<semaphore_mem>>) src(%arg5 : memref<4096xf32, #tpu.memory_space<hbm>>) dst(%dma_wait3A_66 : memref<4096xf32, #tpu.memory_space<vmem>>)
    %dma_wait3A_67 = arith.constant 0 : i32
    %dma_wait3A_68 = tpu.memref_slice %arg13[%dma_wait3A_67] : memref<16384xf32, #tpu.memory_space<vmem>> -> memref<4096xf32, #tpu.memory_space<vmem>>
    %dma_wait3A_69 = arith.constant 0 : i32
    %dma_wait3A_70 = tpu.memref_slice %arg13[%dma_wait3A_69] : memref<16384xf32, #tpu.memory_space<vmem>> -> memref<4096xf32, #tpu.memory_space<vmem>>
    tpu.wait_dma2 semaphore(%arg19 : memref<!tpu.dma_semaphore, #tpu.memory_space<semaphore_mem>>) src(%arg5 : memref<4096xf32, #tpu.memory_space<hbm>>) dst(%dma_wait3A_70 : memref<4096xf32, #tpu.memory_space<vmem>>)
    %dma_wait3A_71 = arith.constant 0 : i32
    %dma_wait3A_72 = tpu.memref_slice %arg13[%dma_wait3A_71] : memref<16384xf32, #tpu.memory_space<vmem>> -> memref<4096xf32, #tpu.memory_space<vmem>>
    %dma_wait3A_73 = arith.constant 0 : i32
    %dma_wait3A_74 = tpu.memref_slice %arg13[%dma_wait3A_73] : memref<16384xf32, #tpu.memory_space<vmem>> -> memref<4096xf32, #tpu.memory_space<vmem>>
    tpu.wait_dma2 semaphore(%arg19 : memref<!tpu.dma_semaphore, #tpu.memory_space<semaphore_mem>>) src(%arg5 : memref<4096xf32, #tpu.memory_space<hbm>>) dst(%dma_wait3A_74 : memref<4096xf32, #tpu.memory_space<vmem>>)
    %dma_wait3A_75 = arith.constant 0 : i32
    %dma_wait3A_76 = tpu.memref_slice %arg13[%dma_wait3A_75] : memref<16384xf32, #tpu.memory_space<vmem>> -> memref<4096xf32, #tpu.memory_space<vmem>>
    %dma_wait3A_77 = arith.constant 0 : i32
    %dma_wait3A_78 = tpu.memref_slice %arg13[%dma_wait3A_77] : memref<16384xf32, #tpu.memory_space<vmem>> -> memref<4096xf32, #tpu.memory_space<vmem>>
    tpu.wait_dma2 semaphore(%arg19 : memref<!tpu.dma_semaphore, #tpu.memory_space<semaphore_mem>>) src(%arg5 : memref<4096xf32, #tpu.memory_space<hbm>>) dst(%dma_wait3A_78 : memref<4096xf32, #tpu.memory_space<vmem>>)
    %get3A = arith.constant 1 : i32
    %get3A_79 = arith.index_cast %get3A : i32 to index
    %get3A_80 = arith.constant 0 : index
    %get3A_81 = tpu.vector_load %arg7[%get3A_79, %get3A_80] {strides = array<i32>} : memref<2x64xi32, #tpu.memory_space<vmem>>, vector<16xi32>,
    %gather3A = tpu.vector_load_idx %arg9[%get3A_81] : memref<4096xf32, #tpu.memory_space<vmem>>[vector<16xi32>], vector<16xf32>,
    %swap3A = arith.constant 0 : index
    %swap3A_82 = tpu.vector_load %arg10[%swap3A] {strides = array<i32>} : memref<64xf32, #tpu.memory_space<vmem>>, vector<16xf32>,
    tpu.vector_store %arg10[%swap3A], %gather3A {strides = array<i32>} : memref<64xf32, #tpu.memory_space<vmem>>, vector<16xf32>,
    %get3A_83 = arith.constant 1 : i32
    %get3A_84 = arith.index_cast %get3A_83 : i32 to index
    %get3A_85 = arith.constant 16 : index
    %get3A_86 = tpu.vector_load %arg7[%get3A_84, %get3A_85] {strides = array<i32>} : memref<2x64xi32, #tpu.memory_space<vmem>>, vector<16xi32>,
    %gather3A_87 = tpu.vector_load_idx %arg9[%get3A_86] : memref<4096xf32, #tpu.memory_space<vmem>>[vector<16xi32>], vector<16xf32>,
    %swap3A_88 = arith.constant 16 : index
    %swap3A_89 = tpu.vector_load %arg10[%swap3A_88] {strides = array<i32>} : memref<64xf32, #tpu.memory_space<vmem>>, vector<16xf32>,
    tpu.vector_store %arg10[%swap3A_88], %gather3A_87 {strides = array<i32>} : memref<64xf32, #tpu.memory_space<vmem>>, vector<16xf32>,
    %get3A_90 = arith.constant 1 : i32
    %get3A_91 = arith.index_cast %get3A_90 : i32 to index
    %get3A_92 = arith.constant 32 : index
    %get3A_93 = tpu.vector_load %arg7[%get3A_91, %get3A_92] {strides = array<i32>} : memref<2x64xi32, #tpu.memory_space<vmem>>, vector<16xi32>,
    %gather3A_94 = tpu.vector_load_idx %arg9[%get3A_93] : memref<4096xf32, #tpu.memory_space<vmem>>[vector<16xi32>], vector<16xf32>,
    %swap3A_95 = arith.constant 32 : index
    %swap3A_96 = tpu.vector_load %arg10[%swap3A_95] {strides = array<i32>} : memref<64xf32, #tpu.memory_space<vmem>>, vector<16xf32>,
    tpu.vector_store %arg10[%swap3A_95], %gather3A_94 {strides = array<i32>} : memref<64xf32, #tpu.memory_space<vmem>>, vector<16xf32>,
    %get3A_97 = arith.constant 1 : i32
    %get3A_98 = arith.index_cast %get3A_97 : i32 to index
    %get3A_99 = arith.constant 48 : index
    %get3A_100 = tpu.vector_load %arg7[%get3A_98, %get3A_99] {strides = array<i32>} : memref<2x64xi32, #tpu.memory_space<vmem>>, vector<16xi32>,
    %gather3A_101 = tpu.vector_load_idx %arg9[%get3A_100] : memref<4096xf32, #tpu.memory_space<vmem>>[vector<16xi32>], vector<16xf32>,
    %swap3A_102 = arith.constant 48 : index
    %swap3A_103 = tpu.vector_load %arg10[%swap3A_102] {strides = array<i32>} : memref<64xf32, #tpu.memory_space<vmem>>, vector<16xf32>,
    tpu.vector_store %arg10[%swap3A_102], %gather3A_101 {strides = array<i32>} : memref<64xf32, #tpu.memory_space<vmem>>, vector<16xf32>,
    %scan3A_104 = arith.constant 0 : i32
    %scan3A_105 = arith.constant 0 : i32
    %scan3A_106 = arith.constant 32 : i32
    %scan3A_107 = arith.addi %scan3A_105, %scan3A_106 : i32
    %scan3A_108 = arith.constant 1 : i32
    %scan3A_109 = scf.for %scan3A_119 = %scan3A_105 to %scan3A_107 step %scan3A_108 iter_args(%scan3A_120 = %scan3A_104) -> (i32)  : i32 {
      %mul3A_121 = arith.constant 2 : i32
      %mul3A_122 = arith.muli %mul3A_121, %scan3A_119 : i32
      %add3A_123 = arith.constant 0 : i32
      %add3A_124 = arith.addi %mul3A_122, %add3A_123 : i32
      %gt3A = arith.constant 0 : i32
      %gt3A_125 = arith.cmpi sgt, %scan3A_119, %gt3A : i32
      %convert_element_type3A = arith.extui %gt3A_125 : i1 to i32
      %cond3A = arith.constant 0 : i32
      %cond3A_126 = arith.cmpi ne, %convert_element_type3A, %cond3A : i32
      scf.if %cond3A_126 {
        %mul3A_763 = arith.constant 4096 : i32
        %mul3A_764 = arith.muli %mul3A_2, %mul3A_763 : i32
        %dma_wait3A_765 = tpu.memref_slice %arg6[%mul3A_764] : memref<33554432xf32, #tpu.memory_space<hbm>> -> memref<16384xf32, #tpu.memory_space<hbm>>
        %dma_wait3A_766 = tpu.memref_slice %arg6[%mul3A_764] : memref<33554432xf32, #tpu.memory_space<hbm>> -> memref<16384xf32, #tpu.memory_space<hbm>>
        tpu.wait_dma2 semaphore(%arg15 : memref<!tpu.dma_semaphore, #tpu.memory_space<semaphore_mem>>) src(%arg13 : memref<16384xf32, #tpu.memory_space<vmem>>) dst(%dma_wait3A_766 : memref<16384xf32, #tpu.memory_space<hbm>>)
      } else {
      }
      %dma_wait3A_127 = arith.constant 0 : i32
      %dma_wait3A_128 = tpu.memref_slice %arg12[%dma_wait3A_127] : memref<16384xf32, #tpu.memory_space<vmem>> -> memref<128xf32, #tpu.memory_space<vmem>>
      %dma_wait3A_129 = arith.constant 0 : i32
      %dma_wait3A_130 = tpu.memref_slice %arg11[%dma_wait3A_129] : memref<16384xi32, #tpu.memory_space<vmem>> -> memref<128xi32, #tpu.memory_space<vmem>>
      %dma_wait3A_131 = arith.constant 0 : i32
      %dma_wait3A_132 = tpu.memref_slice %arg2[%dma_wait3A_131] : memref<33554432xf32, #tpu.memory_space<hbm>> -> memref<33554432xf32, #tpu.memory_space<hbm>>
      tpu.wait_indirect_dma semaphore(%arg17 : memref<!tpu.dma_semaphore, #tpu.memory_space<semaphore_mem>>) src(%dma_wait3A_132 : memref<33554432xf32, #tpu.memory_space<hbm>>) dst(%dma_wait3A_128 : memref<128xf32, #tpu.memory_space<vmem>>)
      %dma_wait3A_133 = arith.constant 0 : i32
      %dma_wait3A_134 = tpu.memref_slice %arg12[%dma_wait3A_133] : memref<16384xf32, #tpu.memory_space<vmem>> -> memref<128xf32, #tpu.memory_space<vmem>>
      %dma_wait3A_135 = arith.constant 0 : i32
      %dma_wait3A_136 = tpu.memref_slice %arg11[%dma_wait3A_135] : memref<16384xi32, #tpu.memory_space<vmem>> -> memref<128xi32, #tpu.memory_space<vmem>>
      %dma_wait3A_137 = arith.constant 0 : i32
      %dma_wait3A_138 = tpu.memref_slice %arg2[%dma_wait3A_137] : memref<33554432xf32, #tpu.memory_space<hbm>> -> memref<33554432xf32, #tpu.memory_space<hbm>>
      tpu.wait_indirect_dma semaphore(%arg17 : memref<!tpu.dma_semaphore, #tpu.memory_space<semaphore_mem>>) src(%dma_wait3A_138 : memref<33554432xf32, #tpu.memory_space<hbm>>) dst(%dma_wait3A_134 : memref<128xf32, #tpu.memory_space<vmem>>)
      %get3A_139 = arith.constant 1 : i32
      %get3A_140 = arith.index_cast %get3A_139 : i32 to index
      %get3A_141 = arith.constant 0 : index
      %get3A_142 = tpu.vector_load %arg7[%get3A_140, %get3A_141] {strides = array<i32>} : memref<2x64xi32, #tpu.memory_space<vmem>>, vector<16xi32>,
      %broadcast_in_dim3A = arith.constant 0 : i32
      %broadcast_in_dim3A_143 = vector.broadcast %broadcast_in_dim3A : i32 to vector<16xi32>
      %add3A_144 = arith.addi %get3A_142, %broadcast_in_dim3A_143 : vector<16xi32>
      %get3A_145 = arith.constant 0 : index
      %get3A_146 = tpu.vector_load %arg10[%get3A_145] {strides = array<i32>} : memref<64xf32, #tpu.memory_space<vmem>>, vector<16xf32>,
      %mul3A_147 = arith.constant 256 : i32
      %mul3A_148 = arith.muli %add3A_124, %mul3A_147 : i32
      %add3A_149 = arith.constant 0 : i32
      %add3A_150 = arith.addi %mul3A_148, %add3A_149 : i32
      %get3A_151 = arith.index_cast %add3A_150 : i32 to index
      %get3A_152 = tpu.vector_load %arg12[%get3A_151] {strides = array<i32>} : memref<16384xf32, #tpu.memory_space<vmem>>, vector<16xf32>,
      %get3A_153 = arith.constant 0 : index
      %get3A_154 = tpu.vector_load %arg8[%get3A_153] {strides = array<i32>} : memref<64xf32, #tpu.memory_space<vmem>>, vector<16xf32>,
      %mul3A_155 = arith.mulf %get3A_152, %get3A_154 : vector<16xf32>
      tpu.vector_store_idx %arg13[%add3A_144], %get3A_146 : memref<16384xf32, #tpu.memory_space<vmem>>[vector<16xi32>], vector<16xf32>,
      tpu.vector_store_idx %arg13[%add3A_144], %mul3A_155 {add = true} : memref<16384xf32, #tpu.memory_space<vmem>>[vector<16xi32>], vector<16xf32>,
      %get3A_156 = arith.constant 1 : i32
      %get3A_157 = arith.index_cast %get3A_156 : i32 to index
      %get3A_158 = arith.constant 16 : index
      %get3A_159 = tpu.vector_load %arg7[%get3A_157, %get3A_158] {strides = array<i32>} : memref<2x64xi32, #tpu.memory_space<vmem>>, vector<16xi32>,
      %broadcast_in_dim3A_160 = arith.constant 0 : i32
      %broadcast_in_dim3A_161 = vector.broadcast %broadcast_in_dim3A_160 : i32 to vector<16xi32>
      %add3A_162 = arith.addi %get3A_159, %broadcast_in_dim3A_161 : vector<16xi32>
      %get3A_163 = arith.constant 16 : index
      %get3A_164 = tpu.vector_load %arg10[%get3A_163] {strides = array<i32>} : memref<64xf32, #tpu.memory_space<vmem>>, vector<16xf32>,
      %mul3A_165 = arith.constant 256 : i32
      %mul3A_166 = arith.muli %add3A_124, %mul3A_165 : i32
      %add3A_167 = arith.constant 16 : i32
      %add3A_168 = arith.addi %mul3A_166, %add3A_167 : i32
      %get3A_169 = arith.index_cast %add3A_168 : i32 to index
      %get3A_170 = tpu.vector_load %arg12[%get3A_169] {strides = array<i32>} : memref<16384xf32, #tpu.memory_space<vmem>>, vector<16xf32>,
      %get3A_171 = arith.constant 16 : index
      %get3A_172 = tpu.vector_load %arg8[%get3A_171] {strides = array<i32>} : memref<64xf32, #tpu.memory_space<vmem>>, vector<16xf32>,
      %mul3A_173 = arith.mulf %get3A_170, %get3A_172 : vector<16xf32>
      tpu.vector_store_idx %arg13[%add3A_162], %get3A_164 : memref<16384xf32, #tpu.memory_space<vmem>>[vector<16xi32>], vector<16xf32>,
      tpu.vector_store_idx %arg13[%add3A_162], %mul3A_173 {add = true} : memref<16384xf32, #tpu.memory_space<vmem>>[vector<16xi32>], vector<16xf32>,
      %get3A_174 = arith.constant 1 : i32
      %get3A_175 = arith.index_cast %get3A_174 : i32 to index
      %get3A_176 = arith.constant 32 : index
      %get3A_177 = tpu.vector_load %arg7[%get3A_175, %get3A_176] {strides = array<i32>} : memref<2x64xi32, #tpu.memory_space<vmem>>, vector<16xi32>,
      %broadcast_in_dim3A_178 = arith.constant 0 : i32
      %broadcast_in_dim3A_179 = vector.broadcast %broadcast_in_dim3A_178 : i32 to vector<16xi32>
      %add3A_180 = arith.addi %get3A_177, %broadcast_in_dim3A_179 : vector<16xi32>
      %get3A_181 = arith.constant 32 : index
      %get3A_182 = tpu.vector_load %arg10[%get3A_181] {strides = array<i32>} : memref<64xf32, #tpu.memory_space<vmem>>, vector<16xf32>,
      %mul3A_183 = arith.constant 256 : i32
      %mul3A_184 = arith.muli %add3A_124, %mul3A_183 : i32
      %add3A_185 = arith.constant 32 : i32
      %add3A_186 = arith.addi %mul3A_184, %add3A_185 : i32
      %get3A_187 = arith.index_cast %add3A_186 : i32 to index
      %get3A_188 = tpu.vector_load %arg12[%get3A_187] {strides = array<i32>} : memref<16384xf32, #tpu.memory_space<vmem>>, vector<16xf32>,
      %get3A_189 = arith.constant 32 : index
      %get3A_190 = tpu.vector_load %arg8[%get3A_189] {strides = array<i32>} : memref<64xf32, #tpu.memory_space<vmem>>, vector<16xf32>,
      %mul3A_191 = arith.mulf %get3A_188, %get3A_190 : vector<16xf32>
      tpu.vector_store_idx %arg13[%add3A_180], %get3A_182 : memref<16384xf32, #tpu.memory_space<vmem>>[vector<16xi32>], vector<16xf32>,
      tpu.vector_store_idx %arg13[%add3A_180], %mul3A_191 {add = true} : memref<16384xf32, #tpu.memory_space<vmem>>[vector<16xi32>], vector<16xf32>,
      %get3A_192 = arith.constant 1 : i32
      %get3A_193 = arith.index_cast %get3A_192 : i32 to index
      %get3A_194 = arith.constant 48 : index
      %get3A_195 = tpu.vector_load %arg7[%get3A_193, %get3A_194] {strides = array<i32>} : memref<2x64xi32, #tpu.memory_space<vmem>>, vector<16xi32>,
      %broadcast_in_dim3A_196 = arith.constant 0 : i32
      %broadcast_in_dim3A_197 = vector.broadcast %broadcast_in_dim3A_196 : i32 to vector<16xi32>
      %add3A_198 = arith.addi %get3A_195, %broadcast_in_dim3A_197 : vector<16xi32>
      %get3A_199 = arith.constant 48 : index
      %get3A_200 = tpu.vector_load %arg10[%get3A_199] {strides = array<i32>} : memref<64xf32, #tpu.memory_space<vmem>>, vector<16xf32>,
      %mul3A_201 = arith.constant 256 : i32
      %mul3A_202 = arith.muli %add3A_124, %mul3A_201 : i32
      %add3A_203 = arith.constant 48 : i32
      %add3A_204 = arith.addi %mul3A_202, %add3A_203 : i32
      %get3A_205 = arith.index_cast %add3A_204 : i32 to index
      %get3A_206 = tpu.vector_load %arg12[%get3A_205] {strides = array<i32>} : memref<16384xf32, #tpu.memory_space<vmem>>, vector<16xf32>,
      %get3A_207 = arith.constant 48 : index
      %get3A_208 = tpu.vector_load %arg8[%get3A_207] {strides = array<i32>} : memref<64xf32, #tpu.memory_space<vmem>>, vector<16xf32>,
      %mul3A_209 = arith.mulf %get3A_206, %get3A_208 : vector<16xf32>
      tpu.vector_store_idx %arg13[%add3A_198], %get3A_200 : memref<16384xf32, #tpu.memory_space<vmem>>[vector<16xi32>], vector<16xf32>,
      tpu.vector_store_idx %arg13[%add3A_198], %mul3A_209 {add = true} : memref<16384xf32, #tpu.memory_space<vmem>>[vector<16xi32>], vector<16xf32>,
      %get3A_210 = arith.constant 1 : i32
      %get3A_211 = arith.index_cast %get3A_210 : i32 to index
      %get3A_212 = arith.constant 0 : index
      %get3A_213 = tpu.vector_load %arg7[%get3A_211, %get3A_212] {strides = array<i32>} : memref<2x64xi32, #tpu.memory_space<vmem>>, vector<16xi32>,
      %broadcast_in_dim3A_214 = arith.constant 4096 : i32
      %broadcast_in_dim3A_215 = vector.broadcast %broadcast_in_dim3A_214 : i32 to vector<16xi32>
      %add3A_216 = arith.addi %get3A_213, %broadcast_in_dim3A_215 : vector<16xi32>
      %get3A_217 = arith.constant 0 : index
      %get3A_218 = tpu.vector_load %arg10[%get3A_217] {strides = array<i32>} : memref<64xf32, #tpu.memory_space<vmem>>, vector<16xf32>,
      %mul3A_219 = arith.constant 256 : i32
      %mul3A_220 = arith.muli %add3A_124, %mul3A_219 : i32
      %add3A_221 = arith.constant 64 : i32
      %add3A_222 = arith.addi %mul3A_220, %add3A_221 : i32
      %get3A_223 = arith.index_cast %add3A_222 : i32 to index
      %get3A_224 = tpu.vector_load %arg12[%get3A_223] {strides = array<i32>} : memref<16384xf32, #tpu.memory_space<vmem>>, vector<16xf32>,
      %get3A_225 = arith.constant 0 : index
      %get3A_226 = tpu.vector_load %arg8[%get3A_225] {strides = array<i32>} : memref<64xf32, #tpu.memory_space<vmem>>, vector<16xf32>,
      %mul3A_227 = arith.mulf %get3A_224, %get3A_226 : vector<16xf32>
      tpu.vector_store_idx %arg13[%add3A_216], %get3A_218 : memref<16384xf32, #tpu.memory_space<vmem>>[vector<16xi32>], vector<16xf32>,
      tpu.vector_store_idx %arg13[%add3A_216], %mul3A_227 {add = true} : memref<16384xf32, #tpu.memory_space<vmem>>[vector<16xi32>], vector<16xf32>,
      %get3A_228 = arith.constant 1 : i32
      %get3A_229 = arith.index_cast %get3A_228 : i32 to index
      %get3A_230 = arith.constant 16 : index
      %get3A_231 = tpu.vector_load %arg7[%get3A_229, %get3A_230] {strides = array<i32>} : memref<2x64xi32, #tpu.memory_space<vmem>>, vector<16xi32>,
      %broadcast_in_dim3A_232 = arith.constant 4096 : i32
      %broadcast_in_dim3A_233 = vector.broadcast %broadcast_in_dim3A_232 : i32 to vector<16xi32>
      %add3A_234 = arith.addi %get3A_231, %broadcast_in_dim3A_233 : vector<16xi32>
      %get3A_235 = arith.constant 16 : index
      %get3A_236 = tpu.vector_load %arg10[%get3A_235] {strides = array<i32>} : memref<64xf32, #tpu.memory_space<vmem>>, vector<16xf32>,
      %mul3A_237 = arith.constant 256 : i32
      %mul3A_238 = arith.muli %add3A_124, %mul3A_237 : i32
      %add3A_239 = arith.constant 80 : i32
      %add3A_240 = arith.addi %mul3A_238, %add3A_239 : i32
      %get3A_241 = arith.index_cast %add3A_240 : i32 to index
      %get3A_242 = tpu.vector_load %arg12[%get3A_241] {strides = array<i32>} : memref<16384xf32, #tpu.memory_space<vmem>>, vector<16xf32>,
      %get3A_243 = arith.constant 16 : index
      %get3A_244 = tpu.vector_load %arg8[%get3A_243] {strides = array<i32>} : memref<64xf32, #tpu.memory_space<vmem>>, vector<16xf32>,
      %mul3A_245 = arith.mulf %get3A_242, %get3A_244 : vector<16xf32>
      tpu.vector_store_idx %arg13[%add3A_234], %get3A_236 : memref<16384xf32, #tpu.memory_space<vmem>>[vector<16xi32>], vector<16xf32>,
      tpu.vector_store_idx %arg13[%add3A_234], %mul3A_245 {add = true} : memref<16384xf32, #tpu.memory_space<vmem>>[vector<16xi32>], vector<16xf32>,
      %get3A_246 = arith.constant 1 : i32
      %get3A_247 = arith.index_cast %get3A_246 : i32 to index
      %get3A_248 = arith.constant 32 : index
      %get3A_249 = tpu.vector_load %arg7[%get3A_247, %get3A_248] {strides = array<i32>} : memref<2x64xi32, #tpu.memory_space<vmem>>, vector<16xi32>,
      %broadcast_in_dim3A_250 = arith.constant 4096 : i32
      %broadcast_in_dim3A_251 = vector.broadcast %broadcast_in_dim3A_250 : i32 to vector<16xi32>
      %add3A_252 = arith.addi %get3A_249, %broadcast_in_dim3A_251 : vector<16xi32>
      %get3A_253 = arith.constant 32 : index
      %get3A_254 = tpu.vector_load %arg10[%get3A_253] {strides = array<i32>} : memref<64xf32, #tpu.memory_space<vmem>>, vector<16xf32>,
      %mul3A_255 = arith.constant 256 : i32
      %mul3A_256 = arith.muli %add3A_124, %mul3A_255 : i32
      %add3A_257 = arith.constant 96 : i32
      %add3A_258 = arith.addi %mul3A_256, %add3A_257 : i32
      %get3A_259 = arith.index_cast %add3A_258 : i32 to index
      %get3A_260 = tpu.vector_load %arg12[%get3A_259] {strides = array<i32>} : memref<16384xf32, #tpu.memory_space<vmem>>, vector<16xf32>,
      %get3A_261 = arith.constant 32 : index
      %get3A_262 = tpu.vector_load %arg8[%get3A_261] {strides = array<i32>} : memref<64xf32, #tpu.memory_space<vmem>>, vector<16xf32>,
      %mul3A_263 = arith.mulf %get3A_260, %get3A_262 : vector<16xf32>
      tpu.vector_store_idx %arg13[%add3A_252], %get3A_254 : memref<16384xf32, #tpu.memory_space<vmem>>[vector<16xi32>], vector<16xf32>,
      tpu.vector_store_idx %arg13[%add3A_252], %mul3A_263 {add = true} : memref<16384xf32, #tpu.memory_space<vmem>>[vector<16xi32>], vector<16xf32>,
      %get3A_264 = arith.constant 1 : i32
      %get3A_265 = arith.index_cast %get3A_264 : i32 to index
      %get3A_266 = arith.constant 48 : index
      %get3A_267 = tpu.vector_load %arg7[%get3A_265, %get3A_266] {strides = array<i32>} : memref<2x64xi32, #tpu.memory_space<vmem>>, vector<16xi32>,
      %broadcast_in_dim3A_268 = arith.constant 4096 : i32
      %broadcast_in_dim3A_269 = vector.broadcast %broadcast_in_dim3A_268 : i32 to vector<16xi32>
      %add3A_270 = arith.addi %get3A_267, %broadcast_in_dim3A_269 : vector<16xi32>
      %get3A_271 = arith.constant 48 : index
      %get3A_272 = tpu.vector_load %arg10[%get3A_271] {strides = array<i32>} : memref<64xf32, #tpu.memory_space<vmem>>, vector<16xf32>,
      %mul3A_273 = arith.constant 256 : i32
      %mul3A_274 = arith.muli %add3A_124, %mul3A_273 : i32
      %add3A_275 = arith.constant 112 : i32
      %add3A_276 = arith.addi %mul3A_274, %add3A_275 : i32
      %get3A_277 = arith.index_cast %add3A_276 : i32 to index
      %get3A_278 = tpu.vector_load %arg12[%get3A_277] {strides = array<i32>} : memref<16384xf32, #tpu.memory_space<vmem>>, vector<16xf32>,
      %get3A_279 = arith.constant 48 : index
      %get3A_280 = tpu.vector_load %arg8[%get3A_279] {strides = array<i32>} : memref<64xf32, #tpu.memory_space<vmem>>, vector<16xf32>,
      %mul3A_281 = arith.mulf %get3A_278, %get3A_280 : vector<16xf32>
      tpu.vector_store_idx %arg13[%add3A_270], %get3A_272 : memref<16384xf32, #tpu.memory_space<vmem>>[vector<16xi32>], vector<16xf32>,
      tpu.vector_store_idx %arg13[%add3A_270], %mul3A_281 {add = true} : memref<16384xf32, #tpu.memory_space<vmem>>[vector<16xi32>], vector<16xf32>,
      %get3A_282 = arith.constant 1 : i32
      %get3A_283 = arith.index_cast %get3A_282 : i32 to index
      %get3A_284 = arith.constant 0 : index
      %get3A_285 = tpu.vector_load %arg7[%get3A_283, %get3A_284] {strides = array<i32>} : memref<2x64xi32, #tpu.memory_space<vmem>>, vector<16xi32>,
      %broadcast_in_dim3A_286 = arith.constant 8192 : i32
      %broadcast_in_dim3A_287 = vector.broadcast %broadcast_in_dim3A_286 : i32 to vector<16xi32>
      %add3A_288 = arith.addi %get3A_285, %broadcast_in_dim3A_287 : vector<16xi32>
      %get3A_289 = arith.constant 0 : index
      %get3A_290 = tpu.vector_load %arg10[%get3A_289] {strides = array<i32>} : memref<64xf32, #tpu.memory_space<vmem>>, vector<16xf32>,
      %mul3A_291 = arith.constant 256 : i32
      %mul3A_292 = arith.muli %add3A_124, %mul3A_291 : i32
      %add3A_293 = arith.constant 128 : i32
      %add3A_294 = arith.addi %mul3A_292, %add3A_293 : i32
      %get3A_295 = arith.index_cast %add3A_294 : i32 to index
      %get3A_296 = tpu.vector_load %arg12[%get3A_295] {strides = array<i32>} : memref<16384xf32, #tpu.memory_space<vmem>>, vector<16xf32>,
      %get3A_297 = arith.constant 0 : index
      %get3A_298 = tpu.vector_load %arg8[%get3A_297] {strides = array<i32>} : memref<64xf32, #tpu.memory_space<vmem>>, vector<16xf32>,
      %mul3A_299 = arith.mulf %get3A_296, %get3A_298 : vector<16xf32>
      tpu.vector_store_idx %arg13[%add3A_288], %get3A_290 : memref<16384xf32, #tpu.memory_space<vmem>>[vector<16xi32>], vector<16xf32>,
      tpu.vector_store_idx %arg13[%add3A_288], %mul3A_299 {add = true} : memref<16384xf32, #tpu.memory_space<vmem>>[vector<16xi32>], vector<16xf32>,
      %get3A_300 = arith.constant 1 : i32
      %get3A_301 = arith.index_cast %get3A_300 : i32 to index
      %get3A_302 = arith.constant 16 : index
      %get3A_303 = tpu.vector_load %arg7[%get3A_301, %get3A_302] {strides = array<i32>} : memref<2x64xi32, #tpu.memory_space<vmem>>, vector<16xi32>,
      %broadcast_in_dim3A_304 = arith.constant 8192 : i32
      %broadcast_in_dim3A_305 = vector.broadcast %broadcast_in_dim3A_304 : i32 to vector<16xi32>
      %add3A_306 = arith.addi %get3A_303, %broadcast_in_dim3A_305 : vector<16xi32>
      %get3A_307 = arith.constant 16 : index
      %get3A_308 = tpu.vector_load %arg10[%get3A_307] {strides = array<i32>} : memref<64xf32, #tpu.memory_space<vmem>>, vector<16xf32>,
      %mul3A_309 = arith.constant 256 : i32
      %mul3A_310 = arith.muli %add3A_124, %mul3A_309 : i32
      %add3A_311 = arith.constant 144 : i32
      %add3A_312 = arith.addi %mul3A_310, %add3A_311 : i32
      %get3A_313 = arith.index_cast %add3A_312 : i32 to index
      %get3A_314 = tpu.vector_load %arg12[%get3A_313] {strides = array<i32>} : memref<16384xf32, #tpu.memory_space<vmem>>, vector<16xf32>,
      %get3A_315 = arith.constant 16 : index
      %get3A_316 = tpu.vector_load %arg8[%get3A_315] {strides = array<i32>} : memref<64xf32, #tpu.memory_space<vmem>>, vector<16xf32>,
      %mul3A_317 = arith.mulf %get3A_314, %get3A_316 : vector<16xf32>
      tpu.vector_store_idx %arg13[%add3A_306], %get3A_308 : memref<16384xf32, #tpu.memory_space<vmem>>[vector<16xi32>], vector<16xf32>,
      tpu.vector_store_idx %arg13[%add3A_306], %mul3A_317 {add = true} : memref<16384xf32, #tpu.memory_space<vmem>>[vector<16xi32>], vector<16xf32>,
      %get3A_318 = arith.constant 1 : i32
      %get3A_319 = arith.index_cast %get3A_318 : i32 to index
      %get3A_320 = arith.constant 32 : index
      %get3A_321 = tpu.vector_load %arg7[%get3A_319, %get3A_320] {strides = array<i32>} : memref<2x64xi32, #tpu.memory_space<vmem>>, vector<16xi32>,
      %broadcast_in_dim3A_322 = arith.constant 8192 : i32
      %broadcast_in_dim3A_323 = vector.broadcast %broadcast_in_dim3A_322 : i32 to vector<16xi32>
      %add3A_324 = arith.addi %get3A_321, %broadcast_in_dim3A_323 : vector<16xi32>
      %get3A_325 = arith.constant 32 : index
      %get3A_326 = tpu.vector_load %arg10[%get3A_325] {strides = array<i32>} : memref<64xf32, #tpu.memory_space<vmem>>, vector<16xf32>,
      %mul3A_327 = arith.constant 256 : i32
      %mul3A_328 = arith.muli %add3A_124, %mul3A_327 : i32
      %add3A_329 = arith.constant 160 : i32
      %add3A_330 = arith.addi %mul3A_328, %add3A_329 : i32
      %get3A_331 = arith.index_cast %add3A_330 : i32 to index
      %get3A_332 = tpu.vector_load %arg12[%get3A_331] {strides = array<i32>} : memref<16384xf32, #tpu.memory_space<vmem>>, vector<16xf32>,
      %get3A_333 = arith.constant 32 : index
      %get3A_334 = tpu.vector_load %arg8[%get3A_333] {strides = array<i32>} : memref<64xf32, #tpu.memory_space<vmem>>, vector<16xf32>,
      %mul3A_335 = arith.mulf %get3A_332, %get3A_334 : vector<16xf32>
      tpu.vector_store_idx %arg13[%add3A_324], %get3A_326 : memref<16384xf32, #tpu.memory_space<vmem>>[vector<16xi32>], vector<16xf32>,
      tpu.vector_store_idx %arg13[%add3A_324], %mul3A_335 {add = true} : memref<16384xf32, #tpu.memory_space<vmem>>[vector<16xi32>], vector<16xf32>,
      %get3A_336 = arith.constant 1 : i32
      %get3A_337 = arith.index_cast %get3A_336 : i32 to index
      %get3A_338 = arith.constant 48 : index
      %get3A_339 = tpu.vector_load %arg7[%get3A_337, %get3A_338] {strides = array<i32>} : memref<2x64xi32, #tpu.memory_space<vmem>>, vector<16xi32>,
      %broadcast_in_dim3A_340 = arith.constant 8192 : i32
      %broadcast_in_dim3A_341 = vector.broadcast %broadcast_in_dim3A_340 : i32 to vector<16xi32>
      %add3A_342 = arith.addi %get3A_339, %broadcast_in_dim3A_341 : vector<16xi32>
      %get3A_343 = arith.constant 48 : index
      %get3A_344 = tpu.vector_load %arg10[%get3A_343] {strides = array<i32>} : memref<64xf32, #tpu.memory_space<vmem>>, vector<16xf32>,
      %mul3A_345 = arith.constant 256 : i32
      %mul3A_346 = arith.muli %add3A_124, %mul3A_345 : i32
      %add3A_347 = arith.constant 176 : i32
      %add3A_348 = arith.addi %mul3A_346, %add3A_347 : i32
      %get3A_349 = arith.index_cast %add3A_348 : i32 to index
      %get3A_350 = tpu.vector_load %arg12[%get3A_349] {strides = array<i32>} : memref<16384xf32, #tpu.memory_space<vmem>>, vector<16xf32>,
      %get3A_351 = arith.constant 48 : index
      %get3A_352 = tpu.vector_load %arg8[%get3A_351] {strides = array<i32>} : memref<64xf32, #tpu.memory_space<vmem>>, vector<16xf32>,
      %mul3A_353 = arith.mulf %get3A_350, %get3A_352 : vector<16xf32>
      tpu.vector_store_idx %arg13[%add3A_342], %get3A_344 : memref<16384xf32, #tpu.memory_space<vmem>>[vector<16xi32>], vector<16xf32>,
      tpu.vector_store_idx %arg13[%add3A_342], %mul3A_353 {add = true} : memref<16384xf32, #tpu.memory_space<vmem>>[vector<16xi32>], vector<16xf32>,
      %get3A_354 = arith.constant 1 : i32
      %get3A_355 = arith.index_cast %get3A_354 : i32 to index
      %get3A_356 = arith.constant 0 : index
      %get3A_357 = tpu.vector_load %arg7[%get3A_355, %get3A_356] {strides = array<i32>} : memref<2x64xi32, #tpu.memory_space<vmem>>, vector<16xi32>,
      %broadcast_in_dim3A_358 = arith.constant 12288 : i32
      %broadcast_in_dim3A_359 = vector.broadcast %broadcast_in_dim3A_358 : i32 to vector<16xi32>
      %add3A_360 = arith.addi %get3A_357, %broadcast_in_dim3A_359 : vector<16xi32>
      %get3A_361 = arith.constant 0 : index
      %get3A_362 = tpu.vector_load %arg10[%get3A_361] {strides = array<i32>} : memref<64xf32, #tpu.memory_space<vmem>>, vector<16xf32>,
      %mul3A_363 = arith.constant 256 : i32
      %mul3A_364 = arith.muli %add3A_124, %mul3A_363 : i32
      %add3A_365 = arith.constant 192 : i32
      %add3A_366 = arith.addi %mul3A_364, %add3A_365 : i32
      %get3A_367 = arith.index_cast %add3A_366 : i32 to index
      %get3A_368 = tpu.vector_load %arg12[%get3A_367] {strides = array<i32>} : memref<16384xf32, #tpu.memory_space<vmem>>, vector<16xf32>,
      %get3A_369 = arith.constant 0 : index
      %get3A_370 = tpu.vector_load %arg8[%get3A_369] {strides = array<i32>} : memref<64xf32, #tpu.memory_space<vmem>>, vector<16xf32>,
      %mul3A_371 = arith.mulf %get3A_368, %get3A_370 : vector<16xf32>
      tpu.vector_store_idx %arg13[%add3A_360], %get3A_362 : memref<16384xf32, #tpu.memory_space<vmem>>[vector<16xi32>], vector<16xf32>,
      tpu.vector_store_idx %arg13[%add3A_360], %mul3A_371 {add = true} : memref<16384xf32, #tpu.memory_space<vmem>>[vector<16xi32>], vector<16xf32>,
      %get3A_372 = arith.constant 1 : i32
      %get3A_373 = arith.index_cast %get3A_372 : i32 to index
      %get3A_374 = arith.constant 16 : index
      %get3A_375 = tpu.vector_load %arg7[%get3A_373, %get3A_374] {strides = array<i32>} : memref<2x64xi32, #tpu.memory_space<vmem>>, vector<16xi32>,
      %broadcast_in_dim3A_376 = arith.constant 12288 : i32
      %broadcast_in_dim3A_377 = vector.broadcast %broadcast_in_dim3A_376 : i32 to vector<16xi32>
      %add3A_378 = arith.addi %get3A_375, %broadcast_in_dim3A_377 : vector<16xi32>
      %get3A_379 = arith.constant 16 : index
      %get3A_380 = tpu.vector_load %arg10[%get3A_379] {strides = array<i32>} : memref<64xf32, #tpu.memory_space<vmem>>, vector<16xf32>,
      %mul3A_381 = arith.constant 256 : i32
      %mul3A_382 = arith.muli %add3A_124, %mul3A_381 : i32
      %add3A_383 = arith.constant 208 : i32
      %add3A_384 = arith.addi %mul3A_382, %add3A_383 : i32
      %get3A_385 = arith.index_cast %add3A_384 : i32 to index
      %get3A_386 = tpu.vector_load %arg12[%get3A_385] {strides = array<i32>} : memref<16384xf32, #tpu.memory_space<vmem>>, vector<16xf32>,
      %get3A_387 = arith.constant 16 : index
      %get3A_388 = tpu.vector_load %arg8[%get3A_387] {strides = array<i32>} : memref<64xf32, #tpu.memory_space<vmem>>, vector<16xf32>,
      %mul3A_389 = arith.mulf %get3A_386, %get3A_388 : vector<16xf32>
      tpu.vector_store_idx %arg13[%add3A_378], %get3A_380 : memref<16384xf32, #tpu.memory_space<vmem>>[vector<16xi32>], vector<16xf32>,
      tpu.vector_store_idx %arg13[%add3A_378], %mul3A_389 {add = true} : memref<16384xf32, #tpu.memory_space<vmem>>[vector<16xi32>], vector<16xf32>,
      %get3A_390 = arith.constant 1 : i32
      %get3A_391 = arith.index_cast %get3A_390 : i32 to index
      %get3A_392 = arith.constant 32 : index
      %get3A_393 = tpu.vector_load %arg7[%get3A_391, %get3A_392] {strides = array<i32>} : memref<2x64xi32, #tpu.memory_space<vmem>>, vector<16xi32>,
      %broadcast_in_dim3A_394 = arith.constant 12288 : i32
      %broadcast_in_dim3A_395 = vector.broadcast %broadcast_in_dim3A_394 : i32 to vector<16xi32>
      %add3A_396 = arith.addi %get3A_393, %broadcast_in_dim3A_395 : vector<16xi32>
      %get3A_397 = arith.constant 32 : index
      %get3A_398 = tpu.vector_load %arg10[%get3A_397] {strides = array<i32>} : memref<64xf32, #tpu.memory_space<vmem>>, vector<16xf32>,
      %mul3A_399 = arith.constant 256 : i32
      %mul3A_400 = arith.muli %add3A_124, %mul3A_399 : i32
      %add3A_401 = arith.constant 224 : i32
      %add3A_402 = arith.addi %mul3A_400, %add3A_401 : i32
      %get3A_403 = arith.index_cast %add3A_402 : i32 to index
      %get3A_404 = tpu.vector_load %arg12[%get3A_403] {strides = array<i32>} : memref<16384xf32, #tpu.memory_space<vmem>>, vector<16xf32>,
      %get3A_405 = arith.constant 32 : index
      %get3A_406 = tpu.vector_load %arg8[%get3A_405] {strides = array<i32>} : memref<64xf32, #tpu.memory_space<vmem>>, vector<16xf32>,
      %mul3A_407 = arith.mulf %get3A_404, %get3A_406 : vector<16xf32>
      tpu.vector_store_idx %arg13[%add3A_396], %get3A_398 : memref<16384xf32, #tpu.memory_space<vmem>>[vector<16xi32>], vector<16xf32>,
      tpu.vector_store_idx %arg13[%add3A_396], %mul3A_407 {add = true} : memref<16384xf32, #tpu.memory_space<vmem>>[vector<16xi32>], vector<16xf32>,
      %get3A_408 = arith.constant 1 : i32
      %get3A_409 = arith.index_cast %get3A_408 : i32 to index
      %get3A_410 = arith.constant 48 : index
      %get3A_411 = tpu.vector_load %arg7[%get3A_409, %get3A_410] {strides = array<i32>} : memref<2x64xi32, #tpu.memory_space<vmem>>, vector<16xi32>,
      %broadcast_in_dim3A_412 = arith.constant 12288 : i32
      %broadcast_in_dim3A_413 = vector.broadcast %broadcast_in_dim3A_412 : i32 to vector<16xi32>
      %add3A_414 = arith.addi %get3A_411, %broadcast_in_dim3A_413 : vector<16xi32>
      %get3A_415 = arith.constant 48 : index
      %get3A_416 = tpu.vector_load %arg10[%get3A_415] {strides = array<i32>} : memref<64xf32, #tpu.memory_space<vmem>>, vector<16xf32>,
      %mul3A_417 = arith.constant 256 : i32
      %mul3A_418 = arith.muli %add3A_124, %mul3A_417 : i32
      %add3A_419 = arith.constant 240 : i32
      %add3A_420 = arith.addi %mul3A_418, %add3A_419 : i32
      %get3A_421 = arith.index_cast %add3A_420 : i32 to index
      %get3A_422 = tpu.vector_load %arg12[%get3A_421] {strides = array<i32>} : memref<16384xf32, #tpu.memory_space<vmem>>, vector<16xf32>,
      %get3A_423 = arith.constant 48 : index
      %get3A_424 = tpu.vector_load %arg8[%get3A_423] {strides = array<i32>} : memref<64xf32, #tpu.memory_space<vmem>>, vector<16xf32>,
      %mul3A_425 = arith.mulf %get3A_422, %get3A_424 : vector<16xf32>
      tpu.vector_store_idx %arg13[%add3A_414], %get3A_416 : memref<16384xf32, #tpu.memory_space<vmem>>[vector<16xi32>], vector<16xf32>,
      tpu.vector_store_idx %arg13[%add3A_414], %mul3A_425 {add = true} : memref<16384xf32, #tpu.memory_space<vmem>>[vector<16xi32>], vector<16xf32>,
      %mul3A_426 = arith.constant 4 : i32
      %mul3A_427 = arith.muli %add3A_124, %mul3A_426 : i32
      %add3A_428 = arith.addi %mul3A_2, %mul3A_427 : i32
      %mul3A_429 = arith.constant 4096 : i32
      %mul3A_430 = arith.muli %add3A_428, %mul3A_429 : i32
      %dma_start3A_431 = tpu.memref_slice %arg6[%mul3A_430] : memref<33554432xf32, #tpu.memory_space<hbm>> -> memref<16384xf32, #tpu.memory_space<hbm>>
      %dma_start3A_432 = tpu.memref_slice %arg6[%mul3A_430] : memref<33554432xf32, #tpu.memory_space<hbm>> -> memref<16384xf32, #tpu.memory_space<hbm>>
      tpu.enqueue_dma source(%arg13 : memref<16384xf32, #tpu.memory_space<vmem>>) target(%dma_start3A_432 : memref<16384xf32, #tpu.memory_space<hbm>>) target_semaphore(%arg15 : memref<!tpu.dma_semaphore, #tpu.memory_space<semaphore_mem>>)
      %lt3A = arith.constant 31 : i32
      %lt3A_433 = arith.cmpi slt, %scan3A_119, %lt3A : i32
      %convert_element_type3A_434 = arith.extui %lt3A_433 : i1 to i32
      %cond3A_435 = arith.constant 0 : i32
      %cond3A_436 = arith.cmpi ne, %convert_element_type3A_434, %cond3A_435 : i32
      scf.if %cond3A_436 {
        %add3A_763 = arith.constant 2 : i32
        %add3A_764 = arith.addi %add3A_124, %add3A_763 : i32
        %mul3A_765 = arith.constant 256 : i32
        %mul3A_766 = arith.muli %add3A_764, %mul3A_765 : i32
        %add3A_767 = arith.constant 0 : i32
        %add3A_768 = arith.addi %mul3A_766, %add3A_767 : i32
        %dma_start3A_769 = tpu.memref_slice %arg12[%add3A_768] : memref<16384xf32, #tpu.memory_space<vmem>> -> memref<128xf32, #tpu.memory_space<vmem>>
        %dma_start3A_770 = tpu.memref_slice %arg11[%add3A_768] : memref<16384xi32, #tpu.memory_space<vmem>> -> memref<128xi32, #tpu.memory_space<vmem>>
        %dma_start3A_771 = arith.constant 0 : i32
        %dma_start3A_772 = tpu.memref_slice %arg2[%dma_start3A_771] : memref<33554432xf32, #tpu.memory_space<hbm>> -> memref<33554432xf32, #tpu.memory_space<hbm>>
        tpu.enqueue_indirect_dma source(%dma_start3A_772 : memref<33554432xf32, #tpu.memory_space<hbm>>) target(%dma_start3A_769 : memref<128xf32, #tpu.memory_space<vmem>>) offsets(%dma_start3A_770 : memref<128xi32, #tpu.memory_space<vmem>>) semaphore(%arg17 : memref<!tpu.dma_semaphore, #tpu.memory_space<semaphore_mem>>)
        %mul3A_773 = arith.constant 256 : i32
        %mul3A_774 = arith.muli %add3A_764, %mul3A_773 : i32
        %add3A_775 = arith.constant 128 : i32
        %add3A_776 = arith.addi %mul3A_774, %add3A_775 : i32
        %dma_start3A_777 = tpu.memref_slice %arg12[%add3A_776] : memref<16384xf32, #tpu.memory_space<vmem>> -> memref<128xf32, #tpu.memory_space<vmem>>
        %dma_start3A_778 = tpu.memref_slice %arg11[%add3A_776] : memref<16384xi32, #tpu.memory_space<vmem>> -> memref<128xi32, #tpu.memory_space<vmem>>
        %dma_start3A_779 = arith.constant 0 : i32
        %dma_start3A_780 = tpu.memref_slice %arg2[%dma_start3A_779] : memref<33554432xf32, #tpu.memory_space<hbm>> -> memref<33554432xf32, #tpu.memory_space<hbm>>
        tpu.enqueue_indirect_dma source(%dma_start3A_780 : memref<33554432xf32, #tpu.memory_space<hbm>>) target(%dma_start3A_777 : memref<128xf32, #tpu.memory_space<vmem>>) offsets(%dma_start3A_778 : memref<128xi32, #tpu.memory_space<vmem>>) semaphore(%arg17 : memref<!tpu.dma_semaphore, #tpu.memory_space<semaphore_mem>>)
      } else {
      }
      %mul3A_437 = arith.constant 2 : i32
      %mul3A_438 = arith.muli %mul3A_437, %scan3A_119 : i32
      %add3A_439 = arith.constant 1 : i32
      %add3A_440 = arith.addi %mul3A_438, %add3A_439 : i32
      %gt3A_441 = arith.constant 0 : i32
      %gt3A_442 = arith.cmpi sgt, %scan3A_119, %gt3A_441 : i32
      %convert_element_type3A_443 = arith.extui %gt3A_442 : i1 to i32
      %cond3A_444 = arith.constant 0 : i32
      %cond3A_445 = arith.cmpi ne, %convert_element_type3A_443, %cond3A_444 : i32
      scf.if %cond3A_445 {
        %mul3A_763 = arith.constant 4096 : i32
        %mul3A_764 = arith.muli %mul3A_2, %mul3A_763 : i32
        %dma_wait3A_765 = tpu.memref_slice %arg6[%mul3A_764] : memref<33554432xf32, #tpu.memory_space<hbm>> -> memref<16384xf32, #tpu.memory_space<hbm>>
        %dma_wait3A_766 = tpu.memref_slice %arg6[%mul3A_764] : memref<33554432xf32, #tpu.memory_space<hbm>> -> memref<16384xf32, #tpu.memory_space<hbm>>
        tpu.wait_dma2 semaphore(%arg16 : memref<!tpu.dma_semaphore, #tpu.memory_space<semaphore_mem>>) src(%arg14 : memref<16384xf32, #tpu.memory_space<vmem>>) dst(%dma_wait3A_766 : memref<16384xf32, #tpu.memory_space<hbm>>)
      } else {
      }
      %eq3A = arith.constant 0 : i32
      %eq3A_446 = arith.cmpi eq, %scan3A_119, %eq3A : i32
      %convert_element_type3A_447 = arith.extui %eq3A_446 : i1 to i32
      %cond3A_448 = arith.constant 0 : i32
      %cond3A_449 = arith.cmpi ne, %convert_element_type3A_447, %cond3A_448 : i32
      scf.if %cond3A_449 {
        %dma_wait3A_763 = arith.constant 0 : i32
        %dma_wait3A_764 = tpu.memref_slice %arg14[%dma_wait3A_763] : memref<16384xf32, #tpu.memory_space<vmem>> -> memref<4096xf32, #tpu.memory_space<vmem>>
        %dma_wait3A_765 = arith.constant 0 : i32
        %dma_wait3A_766 = tpu.memref_slice %arg14[%dma_wait3A_765] : memref<16384xf32, #tpu.memory_space<vmem>> -> memref<4096xf32, #tpu.memory_space<vmem>>
        tpu.wait_dma2 semaphore(%arg16 : memref<!tpu.dma_semaphore, #tpu.memory_space<semaphore_mem>>) src(%arg5 : memref<4096xf32, #tpu.memory_space<hbm>>) dst(%dma_wait3A_766 : memref<4096xf32, #tpu.memory_space<vmem>>)
        %dma_wait3A_767 = arith.constant 0 : i32
        %dma_wait3A_768 = tpu.memref_slice %arg14[%dma_wait3A_767] : memref<16384xf32, #tpu.memory_space<vmem>> -> memref<4096xf32, #tpu.memory_space<vmem>>
        %dma_wait3A_769 = arith.constant 0 : i32
        %dma_wait3A_770 = tpu.memref_slice %arg14[%dma_wait3A_769] : memref<16384xf32, #tpu.memory_space<vmem>> -> memref<4096xf32, #tpu.memory_space<vmem>>
        tpu.wait_dma2 semaphore(%arg16 : memref<!tpu.dma_semaphore, #tpu.memory_space<semaphore_mem>>) src(%arg5 : memref<4096xf32, #tpu.memory_space<hbm>>) dst(%dma_wait3A_770 : memref<4096xf32, #tpu.memory_space<vmem>>)
        %dma_wait3A_771 = arith.constant 0 : i32
        %dma_wait3A_772 = tpu.memref_slice %arg14[%dma_wait3A_771] : memref<16384xf32, #tpu.memory_space<vmem>> -> memref<4096xf32, #tpu.memory_space<vmem>>
        %dma_wait3A_773 = arith.constant 0 : i32
        %dma_wait3A_774 = tpu.memref_slice %arg14[%dma_wait3A_773] : memref<16384xf32, #tpu.memory_space<vmem>> -> memref<4096xf32, #tpu.memory_space<vmem>>
        tpu.wait_dma2 semaphore(%arg16 : memref<!tpu.dma_semaphore, #tpu.memory_space<semaphore_mem>>) src(%arg5 : memref<4096xf32, #tpu.memory_space<hbm>>) dst(%dma_wait3A_774 : memref<4096xf32, #tpu.memory_space<vmem>>)
        %dma_wait3A_775 = arith.constant 0 : i32
        %dma_wait3A_776 = tpu.memref_slice %arg14[%dma_wait3A_775] : memref<16384xf32, #tpu.memory_space<vmem>> -> memref<4096xf32, #tpu.memory_space<vmem>>
        %dma_wait3A_777 = arith.constant 0 : i32
        %dma_wait3A_778 = tpu.memref_slice %arg14[%dma_wait3A_777] : memref<16384xf32, #tpu.memory_space<vmem>> -> memref<4096xf32, #tpu.memory_space<vmem>>
        tpu.wait_dma2 semaphore(%arg16 : memref<!tpu.dma_semaphore, #tpu.memory_space<semaphore_mem>>) src(%arg5 : memref<4096xf32, #tpu.memory_space<hbm>>) dst(%dma_wait3A_778 : memref<4096xf32, #tpu.memory_space<vmem>>)
      } else {
      }
      %dma_wait3A_450 = arith.constant 0 : i32
      %dma_wait3A_451 = tpu.memref_slice %arg12[%dma_wait3A_450] : memref<16384xf32, #tpu.memory_space<vmem>> -> memref<128xf32, #tpu.memory_space<vmem>>
      %dma_wait3A_452 = arith.constant 0 : i32
      %dma_wait3A_453 = tpu.memref_slice %arg11[%dma_wait3A_452] : memref<16384xi32, #tpu.memory_space<vmem>> -> memref<128xi32, #tpu.memory_space<vmem>>
      %dma_wait3A_454 = arith.constant 0 : i32
      %dma_wait3A_455 = tpu.memref_slice %arg2[%dma_wait3A_454] : memref<33554432xf32, #tpu.memory_space<hbm>> -> memref<33554432xf32, #tpu.memory_space<hbm>>
      tpu.wait_indirect_dma semaphore(%arg18 : memref<!tpu.dma_semaphore, #tpu.memory_space<semaphore_mem>>) src(%dma_wait3A_455 : memref<33554432xf32, #tpu.memory_space<hbm>>) dst(%dma_wait3A_451 : memref<128xf32, #tpu.memory_space<vmem>>)
      %dma_wait3A_456 = arith.constant 0 : i32
      %dma_wait3A_457 = tpu.memref_slice %arg12[%dma_wait3A_456] : memref<16384xf32, #tpu.memory_space<vmem>> -> memref<128xf32, #tpu.memory_space<vmem>>
      %dma_wait3A_458 = arith.constant 0 : i32
      %dma_wait3A_459 = tpu.memref_slice %arg11[%dma_wait3A_458] : memref<16384xi32, #tpu.memory_space<vmem>> -> memref<128xi32, #tpu.memory_space<vmem>>
      %dma_wait3A_460 = arith.constant 0 : i32
      %dma_wait3A_461 = tpu.memref_slice %arg2[%dma_wait3A_460] : memref<33554432xf32, #tpu.memory_space<hbm>> -> memref<33554432xf32, #tpu.memory_space<hbm>>
      tpu.wait_indirect_dma semaphore(%arg18 : memref<!tpu.dma_semaphore, #tpu.memory_space<semaphore_mem>>) src(%dma_wait3A_461 : memref<33554432xf32, #tpu.memory_space<hbm>>) dst(%dma_wait3A_457 : memref<128xf32, #tpu.memory_space<vmem>>)
      %get3A_462 = arith.constant 1 : i32
      %get3A_463 = arith.index_cast %get3A_462 : i32 to index
      %get3A_464 = arith.constant 0 : index
      %get3A_465 = tpu.vector_load %arg7[%get3A_463, %get3A_464] {strides = array<i32>} : memref<2x64xi32, #tpu.memory_space<vmem>>, vector<16xi32>,
      %broadcast_in_dim3A_466 = arith.constant 0 : i32
      %broadcast_in_dim3A_467 = vector.broadcast %broadcast_in_dim3A_466 : i32 to vector<16xi32>
      %add3A_468 = arith.addi %get3A_465, %broadcast_in_dim3A_467 : vector<16xi32>
      %get3A_469 = arith.constant 0 : index
      %get3A_470 = tpu.vector_load %arg10[%get3A_469] {strides = array<i32>} : memref<64xf32, #tpu.memory_space<vmem>>, vector<16xf32>,
      %mul3A_471 = arith.constant 256 : i32
      %mul3A_472 = arith.muli %add3A_440, %mul3A_471 : i32
      %add3A_473 = arith.constant 0 : i32
      %add3A_474 = arith.addi %mul3A_472, %add3A_473 : i32
      %get3A_475 = arith.index_cast %add3A_474 : i32 to index
      %get3A_476 = tpu.vector_load %arg12[%get3A_475] {strides = array<i32>} : memref<16384xf32, #tpu.memory_space<vmem>>, vector<16xf32>,
      %get3A_477 = arith.constant 0 : index
      %get3A_478 = tpu.vector_load %arg8[%get3A_477] {strides = array<i32>} : memref<64xf32, #tpu.memory_space<vmem>>, vector<16xf32>,
      %mul3A_479 = arith.mulf %get3A_476, %get3A_478 : vector<16xf32>
      tpu.vector_store_idx %arg14[%add3A_468], %get3A_470 : memref<16384xf32, #tpu.memory_space<vmem>>[vector<16xi32>], vector<16xf32>,
      tpu.vector_store_idx %arg14[%add3A_468], %mul3A_479 {add = true} : memref<16384xf32, #tpu.memory_space<vmem>>[vector<16xi32>], vector<16xf32>,
      %get3A_480 = arith.constant 1 : i32
      %get3A_481 = arith.index_cast %get3A_480 : i32 to index
      %get3A_482 = arith.constant 16 : index
      %get3A_483 = tpu.vector_load %arg7[%get3A_481, %get3A_482] {strides = array<i32>} : memref<2x64xi32, #tpu.memory_space<vmem>>, vector<16xi32>,
      %broadcast_in_dim3A_484 = arith.constant 0 : i32
      %broadcast_in_dim3A_485 = vector.broadcast %broadcast_in_dim3A_484 : i32 to vector<16xi32>
      %add3A_486 = arith.addi %get3A_483, %broadcast_in_dim3A_485 : vector<16xi32>
      %get3A_487 = arith.constant 16 : index
      %get3A_488 = tpu.vector_load %arg10[%get3A_487] {strides = array<i32>} : memref<64xf32, #tpu.memory_space<vmem>>, vector<16xf32>,
      %mul3A_489 = arith.constant 256 : i32
      %mul3A_490 = arith.muli %add3A_440, %mul3A_489 : i32
      %add3A_491 = arith.constant 16 : i32
      %add3A_492 = arith.addi %mul3A_490, %add3A_491 : i32
      %get3A_493 = arith.index_cast %add3A_492 : i32 to index
      %get3A_494 = tpu.vector_load %arg12[%get3A_493] {strides = array<i32>} : memref<16384xf32, #tpu.memory_space<vmem>>, vector<16xf32>,
      %get3A_495 = arith.constant 16 : index
      %get3A_496 = tpu.vector_load %arg8[%get3A_495] {strides = array<i32>} : memref<64xf32, #tpu.memory_space<vmem>>, vector<16xf32>,
      %mul3A_497 = arith.mulf %get3A_494, %get3A_496 : vector<16xf32>
      tpu.vector_store_idx %arg14[%add3A_486], %get3A_488 : memref<16384xf32, #tpu.memory_space<vmem>>[vector<16xi32>], vector<16xf32>,
      tpu.vector_store_idx %arg14[%add3A_486], %mul3A_497 {add = true} : memref<16384xf32, #tpu.memory_space<vmem>>[vector<16xi32>], vector<16xf32>,
      %get3A_498 = arith.constant 1 : i32
      %get3A_499 = arith.index_cast %get3A_498 : i32 to index
      %get3A_500 = arith.constant 32 : index
      %get3A_501 = tpu.vector_load %arg7[%get3A_499, %get3A_500] {strides = array<i32>} : memref<2x64xi32, #tpu.memory_space<vmem>>, vector<16xi32>,
      %broadcast_in_dim3A_502 = arith.constant 0 : i32
      %broadcast_in_dim3A_503 = vector.broadcast %broadcast_in_dim3A_502 : i32 to vector<16xi32>
      %add3A_504 = arith.addi %get3A_501, %broadcast_in_dim3A_503 : vector<16xi32>
      %get3A_505 = arith.constant 32 : index
      %get3A_506 = tpu.vector_load %arg10[%get3A_505] {strides = array<i32>} : memref<64xf32, #tpu.memory_space<vmem>>, vector<16xf32>,
      %mul3A_507 = arith.constant 256 : i32
      %mul3A_508 = arith.muli %add3A_440, %mul3A_507 : i32
      %add3A_509 = arith.constant 32 : i32
      %add3A_510 = arith.addi %mul3A_508, %add3A_509 : i32
      %get3A_511 = arith.index_cast %add3A_510 : i32 to index
      %get3A_512 = tpu.vector_load %arg12[%get3A_511] {strides = array<i32>} : memref<16384xf32, #tpu.memory_space<vmem>>, vector<16xf32>,
      %get3A_513 = arith.constant 32 : index
      %get3A_514 = tpu.vector_load %arg8[%get3A_513] {strides = array<i32>} : memref<64xf32, #tpu.memory_space<vmem>>, vector<16xf32>,
      %mul3A_515 = arith.mulf %get3A_512, %get3A_514 : vector<16xf32>
      tpu.vector_store_idx %arg14[%add3A_504], %get3A_506 : memref<16384xf32, #tpu.memory_space<vmem>>[vector<16xi32>], vector<16xf32>,
      tpu.vector_store_idx %arg14[%add3A_504], %mul3A_515 {add = true} : memref<16384xf32, #tpu.memory_space<vmem>>[vector<16xi32>], vector<16xf32>,
      %get3A_516 = arith.constant 1 : i32
      %get3A_517 = arith.index_cast %get3A_516 : i32 to index
      %get3A_518 = arith.constant 48 : index
      %get3A_519 = tpu.vector_load %arg7[%get3A_517, %get3A_518] {strides = array<i32>} : memref<2x64xi32, #tpu.memory_space<vmem>>, vector<16xi32>,
      %broadcast_in_dim3A_520 = arith.constant 0 : i32
      %broadcast_in_dim3A_521 = vector.broadcast %broadcast_in_dim3A_520 : i32 to vector<16xi32>
      %add3A_522 = arith.addi %get3A_519, %broadcast_in_dim3A_521 : vector<16xi32>
      %get3A_523 = arith.constant 48 : index
      %get3A_524 = tpu.vector_load %arg10[%get3A_523] {strides = array<i32>} : memref<64xf32, #tpu.memory_space<vmem>>, vector<16xf32>,
      %mul3A_525 = arith.constant 256 : i32
      %mul3A_526 = arith.muli %add3A_440, %mul3A_525 : i32
      %add3A_527 = arith.constant 48 : i32
      %add3A_528 = arith.addi %mul3A_526, %add3A_527 : i32
      %get3A_529 = arith.index_cast %add3A_528 : i32 to index
      %get3A_530 = tpu.vector_load %arg12[%get3A_529] {strides = array<i32>} : memref<16384xf32, #tpu.memory_space<vmem>>, vector<16xf32>,
      %get3A_531 = arith.constant 48 : index
      %get3A_532 = tpu.vector_load %arg8[%get3A_531] {strides = array<i32>} : memref<64xf32, #tpu.memory_space<vmem>>, vector<16xf32>,
      %mul3A_533 = arith.mulf %get3A_530, %get3A_532 : vector<16xf32>
      tpu.vector_store_idx %arg14[%add3A_522], %get3A_524 : memref<16384xf32, #tpu.memory_space<vmem>>[vector<16xi32>], vector<16xf32>,
      tpu.vector_store_idx %arg14[%add3A_522], %mul3A_533 {add = true} : memref<16384xf32, #tpu.memory_space<vmem>>[vector<16xi32>], vector<16xf32>,
      %get3A_534 = arith.constant 1 : i32
      %get3A_535 = arith.index_cast %get3A_534 : i32 to index
      %get3A_536 = arith.constant 0 : index
      %get3A_537 = tpu.vector_load %arg7[%get3A_535, %get3A_536] {strides = array<i32>} : memref<2x64xi32, #tpu.memory_space<vmem>>, vector<16xi32>,
      %broadcast_in_dim3A_538 = arith.constant 4096 : i32
      %broadcast_in_dim3A_539 = vector.broadcast %broadcast_in_dim3A_538 : i32 to vector<16xi32>
      %add3A_540 = arith.addi %get3A_537, %broadcast_in_dim3A_539 : vector<16xi32>
      %get3A_541 = arith.constant 0 : index
      %get3A_542 = tpu.vector_load %arg10[%get3A_541] {strides = array<i32>} : memref<64xf32, #tpu.memory_space<vmem>>, vector<16xf32>,
      %mul3A_543 = arith.constant 256 : i32
      %mul3A_544 = arith.muli %add3A_440, %mul3A_543 : i32
      %add3A_545 = arith.constant 64 : i32
      %add3A_546 = arith.addi %mul3A_544, %add3A_545 : i32
      %get3A_547 = arith.index_cast %add3A_546 : i32 to index
      %get3A_548 = tpu.vector_load %arg12[%get3A_547] {strides = array<i32>} : memref<16384xf32, #tpu.memory_space<vmem>>, vector<16xf32>,
      %get3A_549 = arith.constant 0 : index
      %get3A_550 = tpu.vector_load %arg8[%get3A_549] {strides = array<i32>} : memref<64xf32, #tpu.memory_space<vmem>>, vector<16xf32>,
      %mul3A_551 = arith.mulf %get3A_548, %get3A_550 : vector<16xf32>
      tpu.vector_store_idx %arg14[%add3A_540], %get3A_542 : memref<16384xf32, #tpu.memory_space<vmem>>[vector<16xi32>], vector<16xf32>,
      tpu.vector_store_idx %arg14[%add3A_540], %mul3A_551 {add = true} : memref<16384xf32, #tpu.memory_space<vmem>>[vector<16xi32>], vector<16xf32>,
      %get3A_552 = arith.constant 1 : i32
      %get3A_553 = arith.index_cast %get3A_552 : i32 to index
      %get3A_554 = arith.constant 16 : index
      %get3A_555 = tpu.vector_load %arg7[%get3A_553, %get3A_554] {strides = array<i32>} : memref<2x64xi32, #tpu.memory_space<vmem>>, vector<16xi32>,
      %broadcast_in_dim3A_556 = arith.constant 4096 : i32
      %broadcast_in_dim3A_557 = vector.broadcast %broadcast_in_dim3A_556 : i32 to vector<16xi32>
      %add3A_558 = arith.addi %get3A_555, %broadcast_in_dim3A_557 : vector<16xi32>
      %get3A_559 = arith.constant 16 : index
      %get3A_560 = tpu.vector_load %arg10[%get3A_559] {strides = array<i32>} : memref<64xf32, #tpu.memory_space<vmem>>, vector<16xf32>,
      %mul3A_561 = arith.constant 256 : i32
      %mul3A_562 = arith.muli %add3A_440, %mul3A_561 : i32
      %add3A_563 = arith.constant 80 : i32
      %add3A_564 = arith.addi %mul3A_562, %add3A_563 : i32
      %get3A_565 = arith.index_cast %add3A_564 : i32 to index
      %get3A_566 = tpu.vector_load %arg12[%get3A_565] {strides = array<i32>} : memref<16384xf32, #tpu.memory_space<vmem>>, vector<16xf32>,
      %get3A_567 = arith.constant 16 : index
      %get3A_568 = tpu.vector_load %arg8[%get3A_567] {strides = array<i32>} : memref<64xf32, #tpu.memory_space<vmem>>, vector<16xf32>,
      %mul3A_569 = arith.mulf %get3A_566, %get3A_568 : vector<16xf32>
      tpu.vector_store_idx %arg14[%add3A_558], %get3A_560 : memref<16384xf32, #tpu.memory_space<vmem>>[vector<16xi32>], vector<16xf32>,
      tpu.vector_store_idx %arg14[%add3A_558], %mul3A_569 {add = true} : memref<16384xf32, #tpu.memory_space<vmem>>[vector<16xi32>], vector<16xf32>,
      %get3A_570 = arith.constant 1 : i32
      %get3A_571 = arith.index_cast %get3A_570 : i32 to index
      %get3A_572 = arith.constant 32 : index
      %get3A_573 = tpu.vector_load %arg7[%get3A_571, %get3A_572] {strides = array<i32>} : memref<2x64xi32, #tpu.memory_space<vmem>>, vector<16xi32>,
      %broadcast_in_dim3A_574 = arith.constant 4096 : i32
      %broadcast_in_dim3A_575 = vector.broadcast %broadcast_in_dim3A_574 : i32 to vector<16xi32>
      %add3A_576 = arith.addi %get3A_573, %broadcast_in_dim3A_575 : vector<16xi32>
      %get3A_577 = arith.constant 32 : index
      %get3A_578 = tpu.vector_load %arg10[%get3A_577] {strides = array<i32>} : memref<64xf32, #tpu.memory_space<vmem>>, vector<16xf32>,
      %mul3A_579 = arith.constant 256 : i32
      %mul3A_580 = arith.muli %add3A_440, %mul3A_579 : i32
      %add3A_581 = arith.constant 96 : i32
      %add3A_582 = arith.addi %mul3A_580, %add3A_581 : i32
      %get3A_583 = arith.index_cast %add3A_582 : i32 to index
      %get3A_584 = tpu.vector_load %arg12[%get3A_583] {strides = array<i32>} : memref<16384xf32, #tpu.memory_space<vmem>>, vector<16xf32>,
      %get3A_585 = arith.constant 32 : index
      %get3A_586 = tpu.vector_load %arg8[%get3A_585] {strides = array<i32>} : memref<64xf32, #tpu.memory_space<vmem>>, vector<16xf32>,
      %mul3A_587 = arith.mulf %get3A_584, %get3A_586 : vector<16xf32>
      tpu.vector_store_idx %arg14[%add3A_576], %get3A_578 : memref<16384xf32, #tpu.memory_space<vmem>>[vector<16xi32>], vector<16xf32>,
      tpu.vector_store_idx %arg14[%add3A_576], %mul3A_587 {add = true} : memref<16384xf32, #tpu.memory_space<vmem>>[vector<16xi32>], vector<16xf32>,
      %get3A_588 = arith.constant 1 : i32
      %get3A_589 = arith.index_cast %get3A_588 : i32 to index
      %get3A_590 = arith.constant 48 : index
      %get3A_591 = tpu.vector_load %arg7[%get3A_589, %get3A_590] {strides = array<i32>} : memref<2x64xi32, #tpu.memory_space<vmem>>, vector<16xi32>,
      %broadcast_in_dim3A_592 = arith.constant 4096 : i32
      %broadcast_in_dim3A_593 = vector.broadcast %broadcast_in_dim3A_592 : i32 to vector<16xi32>
      %add3A_594 = arith.addi %get3A_591, %broadcast_in_dim3A_593 : vector<16xi32>
      %get3A_595 = arith.constant 48 : index
      %get3A_596 = tpu.vector_load %arg10[%get3A_595] {strides = array<i32>} : memref<64xf32, #tpu.memory_space<vmem>>, vector<16xf32>,
      %mul3A_597 = arith.constant 256 : i32
      %mul3A_598 = arith.muli %add3A_440, %mul3A_597 : i32
      %add3A_599 = arith.constant 112 : i32
      %add3A_600 = arith.addi %mul3A_598, %add3A_599 : i32
      %get3A_601 = arith.index_cast %add3A_600 : i32 to index
      %get3A_602 = tpu.vector_load %arg12[%get3A_601] {strides = array<i32>} : memref<16384xf32, #tpu.memory_space<vmem>>, vector<16xf32>,
      %get3A_603 = arith.constant 48 : index
      %get3A_604 = tpu.vector_load %arg8[%get3A_603] {strides = array<i32>} : memref<64xf32, #tpu.memory_space<vmem>>, vector<16xf32>,
      %mul3A_605 = arith.mulf %get3A_602, %get3A_604 : vector<16xf32>
      tpu.vector_store_idx %arg14[%add3A_594], %get3A_596 : memref<16384xf32, #tpu.memory_space<vmem>>[vector<16xi32>], vector<16xf32>,
      tpu.vector_store_idx %arg14[%add3A_594], %mul3A_605 {add = true} : memref<16384xf32, #tpu.memory_space<vmem>>[vector<16xi32>], vector<16xf32>,
      %get3A_606 = arith.constant 1 : i32
      %get3A_607 = arith.index_cast %get3A_606 : i32 to index
      %get3A_608 = arith.constant 0 : index
      %get3A_609 = tpu.vector_load %arg7[%get3A_607, %get3A_608] {strides = array<i32>} : memref<2x64xi32, #tpu.memory_space<vmem>>, vector<16xi32>,
      %broadcast_in_dim3A_610 = arith.constant 8192 : i32
      %broadcast_in_dim3A_611 = vector.broadcast %broadcast_in_dim3A_610 : i32 to vector<16xi32>
      %add3A_612 = arith.addi %get3A_609, %broadcast_in_dim3A_611 : vector<16xi32>
      %get3A_613 = arith.constant 0 : index
      %get3A_614 = tpu.vector_load %arg10[%get3A_613] {strides = array<i32>} : memref<64xf32, #tpu.memory_space<vmem>>, vector<16xf32>,
      %mul3A_615 = arith.constant 256 : i32
      %mul3A_616 = arith.muli %add3A_440, %mul3A_615 : i32
      %add3A_617 = arith.constant 128 : i32
      %add3A_618 = arith.addi %mul3A_616, %add3A_617 : i32
      %get3A_619 = arith.index_cast %add3A_618 : i32 to index
      %get3A_620 = tpu.vector_load %arg12[%get3A_619] {strides = array<i32>} : memref<16384xf32, #tpu.memory_space<vmem>>, vector<16xf32>,
      %get3A_621 = arith.constant 0 : index
      %get3A_622 = tpu.vector_load %arg8[%get3A_621] {strides = array<i32>} : memref<64xf32, #tpu.memory_space<vmem>>, vector<16xf32>,
      %mul3A_623 = arith.mulf %get3A_620, %get3A_622 : vector<16xf32>
      tpu.vector_store_idx %arg14[%add3A_612], %get3A_614 : memref<16384xf32, #tpu.memory_space<vmem>>[vector<16xi32>], vector<16xf32>,
      tpu.vector_store_idx %arg14[%add3A_612], %mul3A_623 {add = true} : memref<16384xf32, #tpu.memory_space<vmem>>[vector<16xi32>], vector<16xf32>,
      %get3A_624 = arith.constant 1 : i32
      %get3A_625 = arith.index_cast %get3A_624 : i32 to index
      %get3A_626 = arith.constant 16 : index
      %get3A_627 = tpu.vector_load %arg7[%get3A_625, %get3A_626] {strides = array<i32>} : memref<2x64xi32, #tpu.memory_space<vmem>>, vector<16xi32>,
      %broadcast_in_dim3A_628 = arith.constant 8192 : i32
      %broadcast_in_dim3A_629 = vector.broadcast %broadcast_in_dim3A_628 : i32 to vector<16xi32>
      %add3A_630 = arith.addi %get3A_627, %broadcast_in_dim3A_629 : vector<16xi32>
      %get3A_631 = arith.constant 16 : index
      %get3A_632 = tpu.vector_load %arg10[%get3A_631] {strides = array<i32>} : memref<64xf32, #tpu.memory_space<vmem>>, vector<16xf32>,
      %mul3A_633 = arith.constant 256 : i32
      %mul3A_634 = arith.muli %add3A_440, %mul3A_633 : i32
      %add3A_635 = arith.constant 144 : i32
      %add3A_636 = arith.addi %mul3A_634, %add3A_635 : i32
      %get3A_637 = arith.index_cast %add3A_636 : i32 to index
      %get3A_638 = tpu.vector_load %arg12[%get3A_637] {strides = array<i32>} : memref<16384xf32, #tpu.memory_space<vmem>>, vector<16xf32>,
      %get3A_639 = arith.constant 16 : index
      %get3A_640 = tpu.vector_load %arg8[%get3A_639] {strides = array<i32>} : memref<64xf32, #tpu.memory_space<vmem>>, vector<16xf32>,
      %mul3A_641 = arith.mulf %get3A_638, %get3A_640 : vector<16xf32>
      tpu.vector_store_idx %arg14[%add3A_630], %get3A_632 : memref<16384xf32, #tpu.memory_space<vmem>>[vector<16xi32>], vector<16xf32>,
      tpu.vector_store_idx %arg14[%add3A_630], %mul3A_641 {add = true} : memref<16384xf32, #tpu.memory_space<vmem>>[vector<16xi32>], vector<16xf32>,
      %get3A_642 = arith.constant 1 : i32
      %get3A_643 = arith.index_cast %get3A_642 : i32 to index
      %get3A_644 = arith.constant 32 : index
      %get3A_645 = tpu.vector_load %arg7[%get3A_643, %get3A_644] {strides = array<i32>} : memref<2x64xi32, #tpu.memory_space<vmem>>, vector<16xi32>,
      %broadcast_in_dim3A_646 = arith.constant 8192 : i32
      %broadcast_in_dim3A_647 = vector.broadcast %broadcast_in_dim3A_646 : i32 to vector<16xi32>
      %add3A_648 = arith.addi %get3A_645, %broadcast_in_dim3A_647 : vector<16xi32>
      %get3A_649 = arith.constant 32 : index
      %get3A_650 = tpu.vector_load %arg10[%get3A_649] {strides = array<i32>} : memref<64xf32, #tpu.memory_space<vmem>>, vector<16xf32>,
      %mul3A_651 = arith.constant 256 : i32
      %mul3A_652 = arith.muli %add3A_440, %mul3A_651 : i32
      %add3A_653 = arith.constant 160 : i32
      %add3A_654 = arith.addi %mul3A_652, %add3A_653 : i32
      %get3A_655 = arith.index_cast %add3A_654 : i32 to index
      %get3A_656 = tpu.vector_load %arg12[%get3A_655] {strides = array<i32>} : memref<16384xf32, #tpu.memory_space<vmem>>, vector<16xf32>,
      %get3A_657 = arith.constant 32 : index
      %get3A_658 = tpu.vector_load %arg8[%get3A_657] {strides = array<i32>} : memref<64xf32, #tpu.memory_space<vmem>>, vector<16xf32>,
      %mul3A_659 = arith.mulf %get3A_656, %get3A_658 : vector<16xf32>
      tpu.vector_store_idx %arg14[%add3A_648], %get3A_650 : memref<16384xf32, #tpu.memory_space<vmem>>[vector<16xi32>], vector<16xf32>,
      tpu.vector_store_idx %arg14[%add3A_648], %mul3A_659 {add = true} : memref<16384xf32, #tpu.memory_space<vmem>>[vector<16xi32>], vector<16xf32>,
      %get3A_660 = arith.constant 1 : i32
      %get3A_661 = arith.index_cast %get3A_660 : i32 to index
      %get3A_662 = arith.constant 48 : index
      %get3A_663 = tpu.vector_load %arg7[%get3A_661, %get3A_662] {strides = array<i32>} : memref<2x64xi32, #tpu.memory_space<vmem>>, vector<16xi32>,
      %broadcast_in_dim3A_664 = arith.constant 8192 : i32
      %broadcast_in_dim3A_665 = vector.broadcast %broadcast_in_dim3A_664 : i32 to vector<16xi32>
      %add3A_666 = arith.addi %get3A_663, %broadcast_in_dim3A_665 : vector<16xi32>
      %get3A_667 = arith.constant 48 : index
      %get3A_668 = tpu.vector_load %arg10[%get3A_667] {strides = array<i32>} : memref<64xf32, #tpu.memory_space<vmem>>, vector<16xf32>,
      %mul3A_669 = arith.constant 256 : i32
      %mul3A_670 = arith.muli %add3A_440, %mul3A_669 : i32
      %add3A_671 = arith.constant 176 : i32
      %add3A_672 = arith.addi %mul3A_670, %add3A_671 : i32
      %get3A_673 = arith.index_cast %add3A_672 : i32 to index
      %get3A_674 = tpu.vector_load %arg12[%get3A_673] {strides = array<i32>} : memref<16384xf32, #tpu.memory_space<vmem>>, vector<16xf32>,
      %get3A_675 = arith.constant 48 : index
      %get3A_676 = tpu.vector_load %arg8[%get3A_675] {strides = array<i32>} : memref<64xf32, #tpu.memory_space<vmem>>, vector<16xf32>,
      %mul3A_677 = arith.mulf %get3A_674, %get3A_676 : vector<16xf32>
      tpu.vector_store_idx %arg14[%add3A_666], %get3A_668 : memref<16384xf32, #tpu.memory_space<vmem>>[vector<16xi32>], vector<16xf32>,
      tpu.vector_store_idx %arg14[%add3A_666], %mul3A_677 {add = true} : memref<16384xf32, #tpu.memory_space<vmem>>[vector<16xi32>], vector<16xf32>,
      %get3A_678 = arith.constant 1 : i32
      %get3A_679 = arith.index_cast %get3A_678 : i32 to index
      %get3A_680 = arith.constant 0 : index
      %get3A_681 = tpu.vector_load %arg7[%get3A_679, %get3A_680] {strides = array<i32>} : memref<2x64xi32, #tpu.memory_space<vmem>>, vector<16xi32>,
      %broadcast_in_dim3A_682 = arith.constant 12288 : i32
      %broadcast_in_dim3A_683 = vector.broadcast %broadcast_in_dim3A_682 : i32 to vector<16xi32>
      %add3A_684 = arith.addi %get3A_681, %broadcast_in_dim3A_683 : vector<16xi32>
      %get3A_685 = arith.constant 0 : index
      %get3A_686 = tpu.vector_load %arg10[%get3A_685] {strides = array<i32>} : memref<64xf32, #tpu.memory_space<vmem>>, vector<16xf32>,
      %mul3A_687 = arith.constant 256 : i32
      %mul3A_688 = arith.muli %add3A_440, %mul3A_687 : i32
      %add3A_689 = arith.constant 192 : i32
      %add3A_690 = arith.addi %mul3A_688, %add3A_689 : i32
      %get3A_691 = arith.index_cast %add3A_690 : i32 to index
      %get3A_692 = tpu.vector_load %arg12[%get3A_691] {strides = array<i32>} : memref<16384xf32, #tpu.memory_space<vmem>>, vector<16xf32>,
      %get3A_693 = arith.constant 0 : index
      %get3A_694 = tpu.vector_load %arg8[%get3A_693] {strides = array<i32>} : memref<64xf32, #tpu.memory_space<vmem>>, vector<16xf32>,
      %mul3A_695 = arith.mulf %get3A_692, %get3A_694 : vector<16xf32>
      tpu.vector_store_idx %arg14[%add3A_684], %get3A_686 : memref<16384xf32, #tpu.memory_space<vmem>>[vector<16xi32>], vector<16xf32>,
      tpu.vector_store_idx %arg14[%add3A_684], %mul3A_695 {add = true} : memref<16384xf32, #tpu.memory_space<vmem>>[vector<16xi32>], vector<16xf32>,
      %get3A_696 = arith.constant 1 : i32
      %get3A_697 = arith.index_cast %get3A_696 : i32 to index
      %get3A_698 = arith.constant 16 : index
      %get3A_699 = tpu.vector_load %arg7[%get3A_697, %get3A_698] {strides = array<i32>} : memref<2x64xi32, #tpu.memory_space<vmem>>, vector<16xi32>,
      %broadcast_in_dim3A_700 = arith.constant 12288 : i32
      %broadcast_in_dim3A_701 = vector.broadcast %broadcast_in_dim3A_700 : i32 to vector<16xi32>
      %add3A_702 = arith.addi %get3A_699, %broadcast_in_dim3A_701 : vector<16xi32>
      %get3A_703 = arith.constant 16 : index
      %get3A_704 = tpu.vector_load %arg10[%get3A_703] {strides = array<i32>} : memref<64xf32, #tpu.memory_space<vmem>>, vector<16xf32>,
      %mul3A_705 = arith.constant 256 : i32
      %mul3A_706 = arith.muli %add3A_440, %mul3A_705 : i32
      %add3A_707 = arith.constant 208 : i32
      %add3A_708 = arith.addi %mul3A_706, %add3A_707 : i32
      %get3A_709 = arith.index_cast %add3A_708 : i32 to index
      %get3A_710 = tpu.vector_load %arg12[%get3A_709] {strides = array<i32>} : memref<16384xf32, #tpu.memory_space<vmem>>, vector<16xf32>,
      %get3A_711 = arith.constant 16 : index
      %get3A_712 = tpu.vector_load %arg8[%get3A_711] {strides = array<i32>} : memref<64xf32, #tpu.memory_space<vmem>>, vector<16xf32>,
      %mul3A_713 = arith.mulf %get3A_710, %get3A_712 : vector<16xf32>
      tpu.vector_store_idx %arg14[%add3A_702], %get3A_704 : memref<16384xf32, #tpu.memory_space<vmem>>[vector<16xi32>], vector<16xf32>,
      tpu.vector_store_idx %arg14[%add3A_702], %mul3A_713 {add = true} : memref<16384xf32, #tpu.memory_space<vmem>>[vector<16xi32>], vector<16xf32>,
      %get3A_714 = arith.constant 1 : i32
      %get3A_715 = arith.index_cast %get3A_714 : i32 to index
      %get3A_716 = arith.constant 32 : index
      %get3A_717 = tpu.vector_load %arg7[%get3A_715, %get3A_716] {strides = array<i32>} : memref<2x64xi32, #tpu.memory_space<vmem>>, vector<16xi32>,
      %broadcast_in_dim3A_718 = arith.constant 12288 : i32
      %broadcast_in_dim3A_719 = vector.broadcast %broadcast_in_dim3A_718 : i32 to vector<16xi32>
      %add3A_720 = arith.addi %get3A_717, %broadcast_in_dim3A_719 : vector<16xi32>
      %get3A_721 = arith.constant 32 : index
      %get3A_722 = tpu.vector_load %arg10[%get3A_721] {strides = array<i32>} : memref<64xf32, #tpu.memory_space<vmem>>, vector<16xf32>,
      %mul3A_723 = arith.constant 256 : i32
      %mul3A_724 = arith.muli %add3A_440, %mul3A_723 : i32
      %add3A_725 = arith.constant 224 : i32
      %add3A_726 = arith.addi %mul3A_724, %add3A_725 : i32
      %get3A_727 = arith.index_cast %add3A_726 : i32 to index
      %get3A_728 = tpu.vector_load %arg12[%get3A_727] {strides = array<i32>} : memref<16384xf32, #tpu.memory_space<vmem>>, vector<16xf32>,
      %get3A_729 = arith.constant 32 : index
      %get3A_730 = tpu.vector_load %arg8[%get3A_729] {strides = array<i32>} : memref<64xf32, #tpu.memory_space<vmem>>, vector<16xf32>,
      %mul3A_731 = arith.mulf %get3A_728, %get3A_730 : vector<16xf32>
      tpu.vector_store_idx %arg14[%add3A_720], %get3A_722 : memref<16384xf32, #tpu.memory_space<vmem>>[vector<16xi32>], vector<16xf32>,
      tpu.vector_store_idx %arg14[%add3A_720], %mul3A_731 {add = true} : memref<16384xf32, #tpu.memory_space<vmem>>[vector<16xi32>], vector<16xf32>,
      %get3A_732 = arith.constant 1 : i32
      %get3A_733 = arith.index_cast %get3A_732 : i32 to index
      %get3A_734 = arith.constant 48 : index
      %get3A_735 = tpu.vector_load %arg7[%get3A_733, %get3A_734] {strides = array<i32>} : memref<2x64xi32, #tpu.memory_space<vmem>>, vector<16xi32>,
      %broadcast_in_dim3A_736 = arith.constant 12288 : i32
      %broadcast_in_dim3A_737 = vector.broadcast %broadcast_in_dim3A_736 : i32 to vector<16xi32>
      %add3A_738 = arith.addi %get3A_735, %broadcast_in_dim3A_737 : vector<16xi32>
      %get3A_739 = arith.constant 48 : index
      %get3A_740 = tpu.vector_load %arg10[%get3A_739] {strides = array<i32>} : memref<64xf32, #tpu.memory_space<vmem>>, vector<16xf32>,
      %mul3A_741 = arith.constant 256 : i32
      %mul3A_742 = arith.muli %add3A_440, %mul3A_741 : i32
      %add3A_743 = arith.constant 240 : i32
      %add3A_744 = arith.addi %mul3A_742, %add3A_743 : i32
      %get3A_745 = arith.index_cast %add3A_744 : i32 to index
      %get3A_746 = tpu.vector_load %arg12[%get3A_745] {strides = array<i32>} : memref<16384xf32, #tpu.memory_space<vmem>>, vector<16xf32>,
      %get3A_747 = arith.constant 48 : index
      %get3A_748 = tpu.vector_load %arg8[%get3A_747] {strides = array<i32>} : memref<64xf32, #tpu.memory_space<vmem>>, vector<16xf32>,
      %mul3A_749 = arith.mulf %get3A_746, %get3A_748 : vector<16xf32>
      tpu.vector_store_idx %arg14[%add3A_738], %get3A_740 : memref<16384xf32, #tpu.memory_space<vmem>>[vector<16xi32>], vector<16xf32>,
      tpu.vector_store_idx %arg14[%add3A_738], %mul3A_749 {add = true} : memref<16384xf32, #tpu.memory_space<vmem>>[vector<16xi32>], vector<16xf32>,
      %mul3A_750 = arith.constant 4 : i32
      %mul3A_751 = arith.muli %add3A_440, %mul3A_750 : i32
      %add3A_752 = arith.addi %mul3A_2, %mul3A_751 : i32
      %mul3A_753 = arith.constant 4096 : i32
      %mul3A_754 = arith.muli %add3A_752, %mul3A_753 : i32
      %dma_start3A_755 = tpu.memref_slice %arg6[%mul3A_754] : memref<33554432xf32, #tpu.memory_space<hbm>> -> memref<16384xf32, #tpu.memory_space<hbm>>
      %dma_start3A_756 = tpu.memref_slice %arg6[%mul3A_754] : memref<33554432xf32, #tpu.memory_space<hbm>> -> memref<16384xf32, #tpu.memory_space<hbm>>
      tpu.enqueue_dma source(%arg14 : memref<16384xf32, #tpu.memory_space<vmem>>) target(%dma_start3A_756 : memref<16384xf32, #tpu.memory_space<hbm>>) target_semaphore(%arg16 : memref<!tpu.dma_semaphore, #tpu.memory_space<semaphore_mem>>)
      %lt3A_757 = arith.constant 31 : i32
      %lt3A_758 = arith.cmpi slt, %scan3A_119, %lt3A_757 : i32
      %convert_element_type3A_759 = arith.extui %lt3A_758 : i1 to i32
      %cond3A_760 = arith.constant 0 : i32
      %cond3A_761 = arith.cmpi ne, %convert_element_type3A_759, %cond3A_760 : i32
      scf.if %cond3A_761 {
        %add3A_763 = arith.constant 2 : i32
        %add3A_764 = arith.addi %add3A_440, %add3A_763 : i32
        %mul3A_765 = arith.constant 256 : i32
        %mul3A_766 = arith.muli %add3A_764, %mul3A_765 : i32
        %add3A_767 = arith.constant 0 : i32
        %add3A_768 = arith.addi %mul3A_766, %add3A_767 : i32
        %dma_start3A_769 = tpu.memref_slice %arg12[%add3A_768] : memref<16384xf32, #tpu.memory_space<vmem>> -> memref<128xf32, #tpu.memory_space<vmem>>
        %dma_start3A_770 = tpu.memref_slice %arg11[%add3A_768] : memref<16384xi32, #tpu.memory_space<vmem>> -> memref<128xi32, #tpu.memory_space<vmem>>
        %dma_start3A_771 = arith.constant 0 : i32
        %dma_start3A_772 = tpu.memref_slice %arg2[%dma_start3A_771] : memref<33554432xf32, #tpu.memory_space<hbm>> -> memref<33554432xf32, #tpu.memory_space<hbm>>
        tpu.enqueue_indirect_dma source(%dma_start3A_772 : memref<33554432xf32, #tpu.memory_space<hbm>>) target(%dma_start3A_769 : memref<128xf32, #tpu.memory_space<vmem>>) offsets(%dma_start3A_770 : memref<128xi32, #tpu.memory_space<vmem>>) semaphore(%arg18 : memref<!tpu.dma_semaphore, #tpu.memory_space<semaphore_mem>>)
        %mul3A_773 = arith.constant 256 : i32
        %mul3A_774 = arith.muli %add3A_764, %mul3A_773 : i32
        %add3A_775 = arith.constant 128 : i32
        %add3A_776 = arith.addi %mul3A_774, %add3A_775 : i32
        %dma_start3A_777 = tpu.memref_slice %arg12[%add3A_776] : memref<16384xf32, #tpu.memory_space<vmem>> -> memref<128xf32, #tpu.memory_space<vmem>>
        %dma_start3A_778 = tpu.memref_slice %arg11[%add3A_776] : memref<16384xi32, #tpu.memory_space<vmem>> -> memref<128xi32, #tpu.memory_space<vmem>>
        %dma_start3A_779 = arith.constant 0 : i32
        %dma_start3A_780 = tpu.memref_slice %arg2[%dma_start3A_779] : memref<33554432xf32, #tpu.memory_space<hbm>> -> memref<33554432xf32, #tpu.memory_space<hbm>>
        tpu.enqueue_indirect_dma source(%dma_start3A_780 : memref<33554432xf32, #tpu.memory_space<hbm>>) target(%dma_start3A_777 : memref<128xf32, #tpu.memory_space<vmem>>) offsets(%dma_start3A_778 : memref<128xi32, #tpu.memory_space<vmem>>) semaphore(%arg18 : memref<!tpu.dma_semaphore, #tpu.memory_space<semaphore_mem>>)
      } else {
      }
      %scan3A_762 = arith.constant 0 : i32
      scf.yield %scan3A_762 : i32
    }
    %scan3A_110 = arith.constant 32 : i32
    %mul3A_111 = arith.constant 4096 : i32
    %mul3A_112 = arith.muli %mul3A_2, %mul3A_111 : i32
    %dma_wait3A_113 = tpu.memref_slice %arg6[%mul3A_112] : memref<33554432xf32, #tpu.memory_space<hbm>> -> memref<16384xf32, #tpu.memory_space<hbm>>
    %dma_wait3A_114 = tpu.memref_slice %arg6[%mul3A_112] : memref<33554432xf32, #tpu.memory_space<hbm>> -> memref<16384xf32, #tpu.memory_space<hbm>>
    tpu.wait_dma2 semaphore(%arg15 : memref<!tpu.dma_semaphore, #tpu.memory_space<semaphore_mem>>) src(%arg13 : memref<16384xf32, #tpu.memory_space<vmem>>) dst(%dma_wait3A_114 : memref<16384xf32, #tpu.memory_space<hbm>>)
    %mul3A_115 = arith.constant 4096 : i32
    %mul3A_116 = arith.muli %mul3A_2, %mul3A_115 : i32
    %dma_wait3A_117 = tpu.memref_slice %arg6[%mul3A_116] : memref<33554432xf32, #tpu.memory_space<hbm>> -> memref<16384xf32, #tpu.memory_space<hbm>>
    %dma_wait3A_118 = tpu.memref_slice %arg6[%mul3A_116] : memref<33554432xf32, #tpu.memory_space<hbm>> -> memref<16384xf32, #tpu.memory_space<hbm>>
    tpu.wait_dma2 semaphore(%arg16 : memref<!tpu.dma_semaphore, #tpu.memory_space<semaphore_mem>>) src(%arg14 : memref<16384xf32, #tpu.memory_space<vmem>>) dst(%dma_wait3A_118 : memref<16384xf32, #tpu.memory_space<hbm>>)
    return
  }
}

</mosaic_0001>

<sc_bundles>
// kernel: _sc_sparse_linear.3.cloned.1.call-start
scs
__scs_entry_jumppad:
0x0: {  	(pc) =	sbr.rel $0x88, $3  }
0x1: {  	(tag) =	ssettag $0x0;
	lr =	simm.s32 $0x1  }
0x2: {  	[smem:$0x3F9D] =	sst lr;
	_ =	strace $0xD0000000  }
0x3: {  	_ = 	snop  }
0x4: {  	_ = 	snop  }
0x5: {  	_ = 	snop  }
0x6: {  	_ = 	snop  }
0x7: {  	_ = 	snop  }
__scs_overlays_trampoline_lowered:
0x8: {  	[smem:$0x3FAC] =	sst s0  }
0x9: {  	[smem:$0x3FAD] =	sst s1  }
0xa: {  	[smem:$0x3FAE] =	sst s2  }
0xb: {  	[smem:$0x3FAF] =	sst s3  }
0xc: {  	[smem:$0x3FB0] =	sst s4  }
0xd: {  	[smem:$0x3FB1] =	sst s5  }
0xe: {  	[smem:$0x3FB2] =	sst s6  }
0xf: {  	[smem:$0x3FB3] =	sst s7  }
0x10: {  	[smem:$0x3FB4] =	sst s8  }
0x11: {  	[smem:$0x3FB5] =	sst s9;
	s0 =	simm.s32 @!p0 $0x0  }
0x12: {  	s1 =	sld [smem:$0x3F9B];
	s0 =	simm.s32 @p0 $0x1  }
0x13: {  	[smem:$0x3FB6] =	sst s0;
	s0 =	simm.s32 @!p1 $0x0  }
0x14: {  	s2 =	sld [smem:$0x3F9A];
	s0 =	simm.s32 @p1 $0x1  }
0x15: {  	[smem:$0x3FB7] =	sst s0;
	s0 =	simm.s32 @!p2 $0x0  }
0x16: {  	s3 =	sld [smem:$0x3FDB];
	s0 =	simm.s32 @p2 $0x1  }
0x17: {  	s4 =	simm.s32 $0x1BF5;
	[smem:$0x3FB9] =	sst s0  }
0x18: {  	s0 =	sld [smem:$0x3F9C];
	_ =	swait.ge [sflag:s4], $0x0  }
0x19: {  	s7 =	sld [smem:$0x3F9D]  }
0x1a: {  	s8 =	sadd.s32 $0xFFFFE003, lr  }
0x1b: {  	s9 =	sadd.s32 $0xFFFFFEF7, lr;
	s5 =	simm.s32 $0xFFFFFFFF;
	p2 =	slt.u32 s8, $0xFFFFF086  }
0x1c: {  	p1 =	slt.u32 s9, $0xF7A;
	s5 =	simm.s32 @!p2 $0x0  }
0x1d: {  	s5 =	simm.s32 @p1 $0x1;
	p0 =	seq.s32 s7, s2  }
0x1e: {  	s7 =	smul.u32 @!p0 $0xF7A, s2;
	p2 =	seq.s32 @!p0 s5, $0x0  }
0x1f: {  	s9 =	smul.u32 $0xF7A, s1;
	s8 =	simm.s32 @!p0 $0x1BF5;
	p2 =	por !p2, p0  }
0x20: {  	[sflag:s8] =	ssyncset.s32 @!p0 $0xFFFFF086;
	s6 =	sadd.s32 @!p0 s3, s7;
	s7 =	simm.s32 @!p0 $0x108  }
0x21: {  	s3 =	sadd.s32 s3, s9;
	s6 =	sadd.s32 @!p0 $0x88, s6;
	s7 =	simm.s32 @p2 $0x1082  }
0x22: {  	[simem:s7], [sflag:s8] =	dma.local @!p0 [hbm:s6], $0xF7A  }
0x23: {  	s9 =	sor.u32 $0xD0000000, s2;
	s6 =	simm.s32 $0x108;
	_ =	swait.ge @!p0 [sflag:s8], $0x0  }
0x24: {  	s3 =	sadd.s32 $0x88, s3;
	s6 =	simm.s32 @!p1 $0x1082;
	[sflag:s4] =	ssyncset.s32 $0xFFFFF086  }
0x25: {  	[simem:s6], [sflag:s4] =	dma.local [hbm:s3], $0xF7A  }
0x26: {  	[smem:$0x3F9D] =	sst s1;
	(tag) =	ssettag s2;
	_ =	strace s9  }
0x27: {  	s1 =	sld [smem:$0x3FAD]  }
0x28: {  	s2 =	sld [smem:$0x3FAE]  }
0x29: {  	s4 =	sld [smem:$0x3FB0]  }
0x2a: {  	p0 =	seq.s32 s5, $0x0;
	s5 =	sld [smem:$0x3FB1]  }
0x2b: {  	s6 =	sld [smem:$0x3FB2]  }
0x2c: {  	s7 =	sld [smem:$0x3FB3]  }
0x2d: {  	s3 =	simm.s32 $0x108;
	s8 =	sld [smem:$0x3FB4]  }
0x2e: {  	s3 =	simm.s32 @!p0 $0x1082;
	s9 =	sld [smem:$0x3FB5]  }
0x2f: {  	lr =	sadd.s32 s0, s3;
	s0 =	sld [smem:$0x3FAC]  }
0x30: {  	s3 =	sld [smem:$0x3FAF]  }
0x31: {  	[smem:$0x3FB8] =	sst s10  }
0x32: {  	s10 =	sld [smem:$0x3FB6];
	_ =	sdelay $0x3  }
0x33: {  	p0 =	seq.s32 s10, $0x1;
	s10 =	sld [smem:$0x3FB8];
	_ =	sdelay $0x3  }
0x34: {  	[smem:$0x3FB8] =	sst s10  }
0x35: {  	s10 =	sld [smem:$0x3FB7];
	_ =	sdelay $0x3  }
0x36: {  	p1 =	seq.s32 s10, $0x1;
	s10 =	sld [smem:$0x3FB8];
	_ =	sdelay $0x3  }
0x37: {  	[smem:$0x3FB8] =	sst s10  }
0x38: {  	s10 =	sld [smem:$0x3FB9]  }
0x39: {  	_ = 	snop;
	(pc) =	sbr.ind lr, $3  }
0x3a: {  	_ = 	snop  }
0x3b: {  	_ = 	snop  }
0x3c: {  	p2 =	seq.s32 s10, $0x1;
	s10 =	sld [smem:$0x3FB8]  }
0x3d: {  	_ =	shalt  }
0x3e: {  	_ =	shalt  }
0x3f: {  	_ =	shalt  }
0x40: {  	_ =	shalt  }
0x41: {  	_ =	shalt  }
0x42: {  	_ =	shalt  }
0x43: {  	_ =	shalt  }
0x44: {  	_ =	shalt  }
0x45: {  	_ =	shalt  }
0x46: {  	_ =	shalt  }
0x47: {  	_ =	shalt  }
0x48: {  	_ =	shalt  }
0x49: {  	_ =	shalt  }
0x4a: {  	_ =	shalt  }
0x4b: {  	_ =	shalt  }
0x4c: {  	_ =	shalt  }
0x4d: {  	_ =	shalt  }
0x4e: {  	_ =	shalt  }
0x4f: {  	_ =	shalt  }
0x50: {  	_ =	shalt  }
0x51: {  	_ =	shalt  }
0x52: {  	_ =	shalt  }
0x53: {  	_ =	shalt  }
0x54: {  	_ =	shalt  }
0x55: {  	_ =	shalt  }
0x56: {  	_ =	shalt  }
0x57: {  	_ =	shalt  }
0x58: {  	_ =	shalt  }
0x59: {  	_ =	shalt  }
0x5a: {  	_ =	shalt  }
0x5b: {  	_ =	shalt  }
0x5c: {  	_ =	shalt  }
0x5d: {  	_ =	shalt  }
0x5e: {  	_ =	shalt  }
0x5f: {  	_ =	shalt  }
0x60: {  	_ =	shalt  }
0x61: {  	_ =	shalt  }
0x62: {  	_ =	shalt  }
0x63: {  	_ =	shalt  }
0x64: {  	_ =	shalt  }
0x65: {  	_ =	shalt  }
0x66: {  	_ =	shalt  }
0x67: {  	_ =	shalt  }
0x68: {  	_ =	shalt  }
0x69: {  	_ =	shalt  }
0x6a: {  	_ =	shalt  }
0x6b: {  	_ =	shalt  }
0x6c: {  	_ =	shalt  }
0x6d: {  	_ =	shalt  }
0x6e: {  	_ =	shalt  }
0x6f: {  	_ =	shalt  }
0x70: {  	_ =	shalt  }
0x71: {  	_ =	shalt  }
0x72: {  	_ =	shalt  }
0x73: {  	_ =	shalt  }
0x74: {  	_ =	shalt  }
0x75: {  	_ =	shalt  }
0x76: {  	_ =	shalt  }
0x77: {  	_ =	shalt  }
0x78: {  	_ =	shalt  }
0x79: {  	_ =	shalt  }
0x7a: {  	_ =	shalt  }
0x7b: {  	_ =	shalt  }
0x7c: {  	_ =	shalt  }
0x7d: {  	_ =	shalt  }
0x7e: {  	_ =	shalt  }
0x7f: {  	_ =	shalt  }
0x80: {  	_ =	shalt  }
0x81: {  	_ =	shalt  }
0x82: {  	_ =	shalt  }
0x83: {  	_ =	shalt  }
0x84: {  	_ =	shalt  }
0x85: {  	_ =	shalt  }
0x86: {  	_ =	shalt  }
0x87: {  	_ =	shalt  }
.Lfunc_end0:
.L_simem_size_0:
called_computation_lowered:
.L_overlay_start_0:
0x88: {  	s2 =	sld [smem:$0x3FD9]  }
0x89: {  	s3 =	sld [smem:$0x3FFE];
	_ =	sdelay $0x1  }
0x8a: {  	s1 =	srdreg.scid  }
0x8b: {  	s0 =	sand.u32 $0x1, s1  }
0x8c: {  	s18 =	sshll.u32 s0, $0xA;
	s2 =	sadd.s32 s3, s2  }
0x8d: {  	s2 =	sadd.s32 s2, s18  }
0x8e: {  	[smem:$0x3FC4] =	sst s2  }
0x8f: {  	_ = 	snop  }
0x90: {  	s2 =	sld [smem:$0x3FC9]  }
0x91: {  	s19 =	sld [smem:$0x3FC8]  }
0x92: {  	s4 =	sld [smem:$0x3FC7]  }
0x93: {  	s5 =	sld [smem:$0x3FC6]  }
0x94: {  	s6 =	sld [smem:$0x3FD0];
	(tm) =	ssettm $0x1  }
0x95: {  	s7 =	sld [smem:$0x3FFB];
	_ =	sdelay $0x3  }
0x96: {  	_ =	strace s7  }
0x97: {  	s7 =	sld [smem:$0x3FFC];
	_ =	sdelay $0x3  }
0x98: {  	_ =	strace s7  }
0x99: {  	s7 =	sld [smem:$0x3FFD];
	_ =	sdelay $0x3  }
0x9a: {  	_ =	strace s7  }
0x9b: {  	_ =	strace $0x8FFFFFFF  }
0x9c: {  	s20 =	sld [smem:$0x3FDB];
	_ =	sdelay $0x1  }
0x9d: {  	s8 =	simm.s32 $_scs_section_size  }
0x9e: {  	s9 =	simm.s32 $_size__tile_overlayer_lowered;
	s10 =	simm.s32 $_tile_overlayer_lowered  }
0x9f: {  	s23 =	simm.s32 $0x1BFF;
	s22 =	sshll.u32 s10, $0x1;
	s7 =	sadd.s32 s8, s20  }
0xa0: {  	s11 =	simm.s32 $0x0;
	s21 =	sshll.u32 s9, $0x1;
	s9 =	sadd.s32 s22, s7  }
0xa1: {  	[timem:s11], [sflag:s23] =	dma.local [hbm:s9], s21  }
0xa2: {  	_ =	swait.ge [sflag:s23], s21  }
0xa3: {  	s8 =	ssub.s32 $0x0, s21;
	[sflag:s23] =	ssyncset.done $0x0  }
0xa4: {  	[sflag:s23] =	ssyncadd.s32 s8;
	_ =	sdelay $0x1  }
0xa5: {  	s24 =	simm.s32 $0x1B8B  }
0xa6: {  	_ =	swait.ge [sflag:s24], $0x1  }
0xa7: {  	[sflag:s24] =	ssyncset.done $0x0  }
0xa8: {  	s25 =	simm.s32 $0x1B8E;
	[sflag:s24] =	ssyncadd.s32 $0xFFFFFFFF  }
0xa9: {  	s26 =	simm.s32 $execute0_lowered;
	[smem:$0x3FD2] =	sst s25  }
0xaa: {  	s8 =	sshll.u32 s26, $0x1;
	_ =	strace $0x80000046;
	[dreg:$0x1] =	wrdreg $0xFFFFFFFF  }
0xab: {  	s28 =	simm.s32 $_size_execute0_lowered;
	s7 =	sadd.s32 s7, s8;
	[dreg:$0x0] =	wrdreg $0x0  }
0xac: {  	s8 =	sshll.u32 s28, $0x1;
	[dreg:$0x2] =	wrdreg s7  }
0xad: {  	[dreg:$0x3] =	wrdreg s8  }
0xae: {  	[dreg:$0x4] =	wrdreg $0xC0  }
0xaf: {  	_ =	task [dreg:s11], $0x5FFFF  }
0xb0: {  	[dreg:$0x1] =	wrdreg $0xFFFFFFFF  }
0xb1: {  	[dreg:$0x0] =	wrdreg $0x60  }
0xb2: {  	[dreg:$0x2] =	wrdreg s2  }
0xb3: {  	[dreg:$0x3] =	wrdreg s19  }
0xb4: {  	[dreg:$0x4] =	wrdreg s4  }
0xb5: {  	[dreg:$0x5] =	wrdreg s5  }
0xb6: {  	[dreg:$0x6] =	wrdreg s6  }
0xb7: {  	[dreg:$0x7] =	wrdreg $0x9  }
0xb8: {  	_ =	task.clear_ibuf [dreg:s11], $0x8FFFF;
	_ =	strace $0x90000046  }
0xb9: {  	s29 =	simm.s32 $0x9;
	_ =	strace $0x80000048  }
0xba: {  	_ =	swait.ge [sflag:s29], $0x1  }
0xbb: {  	[sflag:s29] =	ssyncadd.s32 $0xFFFFFFFF  }
0xbc: {  	_ =	strace $0x90000048  }
0xbd: {  	_ =	sfence  }
0xbe: {  	s30 =	sld [smem:$0x0];
	_ =	sdelay $0x2  }
0xbf: {  	s31 =	sshll.u32 s1, $0xD;
	s1 =	sshrl.u32 s1, $0x2  }
0xc0: {  	s3 =	sand.u32 $0x4000, s31;
	s1 =	sadd.s32 s1, s30  }
0xc1: {  	s0 =	sor.u32 s3, s0;
	s1 =	sshll.u32 s1, $0x11  }
0xc2: {  	s0 =	sor.u32 s1, s0  }
0xc3: {  	s0 =	sadd.s32 $0x8F2B, s0  }
0xc4: {  	[sflag:s0] =	ssyncadd.remote.s32 $0x1  }
0xc5: {  	_ =	sfence.sel $0xFFFF  }
0xc6: {  	[dreg:$0x0] =	wrdreg $0xFFFFFFFF;
	(pc) =	sbr.abs _section_cstart, $3  }
0xc7: {  	[dreg:$0x1] =	wrdreg $0xFFFFFFFF  }
0xc8: {  	_ =	task.clear_ibuf [dreg:s11], $0x2FFFF;
	_ =	strace $0x9FFFFFFF  }
0xc9: {  	(tm) =	ssettm $0x7FFFFFFF  }
tec
execute0_lowered:
.L_overlay_start_1:
0x0: {  	(tag) =	ssettag $0x1  }
0x1: {  	s1 =	rddreg [dreg:$0x0]  }
0x2: {  	s4 =	rddreg [dreg:$0x3]  }
0x3: {  	s0 =	rddreg [dreg:$0x4]  }
0x4: {  	s2 =	srdreg.scid;
	s6 =	simm.s32 $0x0;
	s8 =	stileid.u32  }
0x5: {  	s12 =	simm.s32 $0x180;
	s13 =	simm.s32 $0x9200;
	s17 =	simm.s32 $0xD200  }
0x6: {  	s21 =	simm.s32 $0x6;
	s22 =	simm.s32 $0x80;
	s28 =	simm.s32 $0x1300  }
0x7: {  	s29 =	simm.s32 $0x5300;
	s30 =	simm.s32 $0x1380;
	s31 =	simm.s32 $0x5380  }
0x8: {  	s14 =	simm.s32 $0x0;
	s2 =	sand.u32 $0x1, s2;
	[smem:$0x7FF] =	sst s6  }
0x9: {  	s10 =	sshll.u32 s8, $0x12;
	s26 =	sshll.u32 s8, $0x15;
	s3 =	ssub.s32 $0x2, s2  }
0xa: {  	s11 =	sshll.u32 s2, $0x11;
	_ =	strace $0x80000047;
	s2 =	sshll.u32 s2, $0x14  }
.Ltmp0:
0xb: {  	s5 =	sshrl.u32 s3, $0x1;
	s25 =	sor.u32 s11, s10;
	(pc) =	sbr.rel .LBB2_1-.Ltmp0, $4  }
0xc: {  	s9 =	sor.u32 s2, s26;
	s26 =	simm.s32 $0x5280;
	s2 =	simm.s32 $0x2  }
0xd: {  	s3 =	ssub.s32 s3, s5;
	s7 =	sadd.s32 s0, s25;
	s0 =	sadd.s32 s10, s0  }
0xe: {  	s5 =	simm.s32 $0x3;
	s8 =	smax.u32 s3, $0x1;
	s18 =	sadd.s32 s11, s0  }
0xf: {  	s0 =	simm.s32 $0x5;
	s3 =	simm.s32 $0x4;
	s11 =	simm.s32 $0x1  }
.LBB2_9:
0x10: {  	s14 =	sadd.s32 $0x1, s14  }
0x11: {  	_ =	swait.ge [sflag:s11], $0x4000;
	p0 =	sne.s32 s14, s8  }
.Ltmp1:
0x12: {  	[sflag:s11] =	ssyncset.done $0x0;
	(pc) =	sbr.rel @!p0 .LBB2_10-.Ltmp1, $4  }
0x13: {  	[sflag:s11] =	ssyncadd.s32 $0xFFFFC000  }
0x14: {  	_ =	swait.ge [sflag:s2], $0x4000  }
0x15: {  	[sflag:s2] =	ssyncset.done $0x0  }
0x16: {  	[sflag:s2] =	ssyncadd.s32 $0xFFFFC000  }
.LBB2_1:
0x17: {  	s10 =	rddreg [dreg:$0x2];
	s15 =	simm.s32 $0x100  }
0x18: {  	[tilespmem:s15], [sflag:$0x5] =	stream.linear.gather [hbm4b:s10+s6], $0x80, $0x38;
	[tilespmem:$0x11200] =	vst v63  }
0x19: {  	_ = 	snop  }
0x1a: {  	[tilespmem:s12], [sflag:$0x5] =	stream.linear.gather [hbm4b:s4+s6], $0x1000, $0x38;
	[tilespmem:$0x11200] =	vst v63  }
0x1b: {  	_ = 	snop  }
0x1c: {  	[tilespmem:s13], [sflag:$0x5] =	stream.linear.gather [hbm4b:s4+s6], $0x1000, $0x38;
	[tilespmem:$0x11200] =	vst v63  }
0x1d: {  	s25 =	simm.s32 $0xA200  }
0x1e: {  	[tilespmem:s25], [sflag:$0x5] =	stream.linear.gather [hbm4b:s4+s6], $0x1000, $0x38;
	[tilespmem:$0x11200] =	vst v63  }
0x1f: {  	s15 =	simm.s32 $0xB200  }
0x20: {  	[tilespmem:s15], [sflag:$0x5] =	stream.linear.gather [hbm4b:s4+s6], $0x1000, $0x38;
	[tilespmem:$0x11200] =	vst v63  }
0x21: {  	s16 =	simm.s32 $0xC200  }
0x22: {  	[tilespmem:s16], [sflag:$0x5] =	stream.linear.gather [hbm4b:s4+s6], $0x1000, $0x38;
	[tilespmem:$0x11200] =	vst v63  }
0x23: {  	_ = 	snop  }
0x24: {  	[tilespmem:s17], [sflag:$0x2] =	stream.linear.gather [hbm4b:s4+s6], $0x1000, $0x38;
	[tilespmem:$0x11200] =	vst v63  }
0x25: {  	s19 =	simm.s32 $0xE200  }
0x26: {  	[tilespmem:s19], [sflag:$0x2] =	stream.linear.gather [hbm4b:s4+s6], $0x1000, $0x38;
	[tilespmem:$0x11200] =	vst v63  }
0x27: {  	s20 =	simm.s32 $0xF200  }
0x28: {  	[tilespmem:s20], [sflag:$0x2] =	stream.linear.gather [hbm4b:s4+s6], $0x1000, $0x38;
	[tilespmem:$0x11200] =	vst v63  }
0x29: {  	s23 =	simm.s32 $0x10200  }
0x2a: {  	[tilespmem:s23], [sflag:$0x2] =	stream.linear.gather [hbm4b:s4+s6], $0x1000, $0x38;
	[tilespmem:$0x11200] =	vst v63  }
0x2b: {  	s24 =	rddreg [dreg:$0x1]  }
0x2c: {  	[tilespmem:s6], [sflag:$0x6] =	stream.linear.gather [hbm4b:s24+s6], $0x100, $0x38;
	[tilespmem:$0x11200] =	vst v63  }
0x2d: {  	_ =	swait.ge [sflag:s21], $0x100  }
0x2e: {  	[sflag:s21] =	ssyncset.done $0x0  }
0x2f: {  	[sflag:s21] =	ssyncadd.s32 $0xFFFFFF00  }
0x30: {  	v0 =	vld [tilespmem:$0x0];
	_ =	sdelay $0x3  }
0x31: {  	s25 =	sadd.s32 $0x0, s9  }
0x32: {  	s10 =	simm.s32 $0x1220;
	v0 =	vadd.s32 s25, v0  }
0x33: {  	[tilespmem:s10+$0xFFFFFFE0] =	vst v0  }
0x34: {  	v0 =	vld [tilespmem:$0x10];
	_ =	sdelay $0x4  }
0x35: {  	v0 =	vadd.s32 s25, v0  }
0x36: {  	[tilespmem:s10+$0xFFFFFFF0] =	vst v0  }
0x37: {  	v0 =	vld [tilespmem:$0x20];
	_ =	sdelay $0x4  }
0x38: {  	v0 =	vadd.s32 s25, v0  }
0x39: {  	[tilespmem:s10+$0x0] =	vst v0  }
0x3a: {  	v0 =	vld [tilespmem:$0x30];
	_ =	sdelay $0x4  }
0x3b: {  	v0 =	vadd.s32 s25, v0  }
0x3c: {  	[tilespmem:s10+$0x10] =	vst v0  }
0x3d: {  	s15 =	simm.s32 $0x1000;
	s16 =	simm.s32 $0x2000;
	v0 =	vld [tilespmem:$0x0]  }
.LBB2_2:
0x3e: {  	p0 =	sne.s32 s16, $0xFF000;
	_ =	sdelay $0x2  }
0x3f: {  	s19 =	sadd.s32 s15, s9;
	s15 =	smov.u32 s16  }
0x40: {  	s10 =	sadd.s32 $0x40, s10;
	v0 =	vadd.s32 s19, v0  }
0x41: {  	[tilespmem:s10+$0xFFFFFFE0] =	vst v0  }
0x42: {  	v0 =	vld [tilespmem:$0x10];
	_ =	sdelay $0x4  }
0x43: {  	v0 =	vadd.s32 s19, v0  }
0x44: {  	[tilespmem:s10+$0xFFFFFFF0] =	vst v0  }
0x45: {  	v0 =	vld [tilespmem:$0x20];
	_ =	sdelay $0x4  }
0x46: {  	v0 =	vadd.s32 s19, v0  }
0x47: {  	[tilespmem:s10+$0x0] =	vst v0  }
0x48: {  	v0 =	vld [tilespmem:$0x30];
	_ =	sdelay $0x2  }
.Ltmp2:
0x49: {  	(pc) =	sbr.rel @p0 .LBB2_2-.Ltmp2, $4  }
0x4a: {  	_ = 	snop  }
0x4b: {  	v0 =	vadd.s32 s19, v0  }
0x4c: {  	[tilespmem:s10+$0x10] =	vst v0  }
0x4d: {  	s16 =	sadd.s32 $0x1000, s16;
	v0 =	vld [tilespmem:$0x0]  }
0x4e: {  	_ =	sdelay $0x2  }
0x4f: {  	s15 =	sadd.s32 s15, s9  }
0x50: {  	s10 =	sadd.s32 $0x40, s10;
	v0 =	vadd.s32 s15, v0  }
0x51: {  	[tilespmem:s10+$0xFFFFFFE0] =	vst v0  }
0x52: {  	v0 =	vld [tilespmem:$0x10];
	_ =	sdelay $0x4  }
0x53: {  	v0 =	vadd.s32 s15, v0  }
0x54: {  	[tilespmem:s10+$0xFFFFFFF0] =	vst v0  }
0x55: {  	v0 =	vld [tilespmem:$0x20];
	_ =	sdelay $0x4  }
0x56: {  	v0 =	vadd.s32 s15, v0  }
0x57: {  	[tilespmem:s10+$0x0] =	vst v0  }
0x58: {  	v0 =	vld [tilespmem:$0x30];
	_ =	sdelay $0x4  }
0x59: {  	v0 =	vadd.s32 s15, v0  }
0x5a: {  	s23 =	simm.s32 $0x1200;
	s24 =	simm.s32 $0x5200;
	[tilespmem:s10+$0x10] =	vst v0  }
0x5b: {  	[tilespmem:s24], [sflag:$0x3] =	stream.indirect.gather [hbm4b:s1+s22], $0x1, s23, s22, $0xb8;
	[tilespmem:$0x11200] =	vst v63  }
0x5c: {  	s25 =	simm.s32 $0x1280  }
0x5d: {  	[tilespmem:s26], [sflag:$0x3] =	stream.indirect.gather [hbm4b:s1+s22], $0x1, s25, s22, $0xb8;
	[tilespmem:$0x11200] =	vst v63  }
0x5e: {  	_ = 	snop  }
0x5f: {  	[tilespmem:s29], [sflag:$0x4] =	stream.indirect.gather [hbm4b:s1+s22], $0x1, s28, s22, $0xb8;
	[tilespmem:$0x11200] =	vst v63  }
0x60: {  	_ = 	snop  }
0x61: {  	[tilespmem:s31], [sflag:$0x4] =	stream.indirect.gather [hbm4b:s1+s22], $0x1, s30, s22, $0xb8;
	[tilespmem:$0x11200] =	vst v63  }
0x62: {  	_ =	swait.ge [sflag:s0], $0x80  }
0x63: {  	[sflag:s0] =	ssyncset.done $0x0  }
0x64: {  	[sflag:s0] =	ssyncadd.s32 $0xFFFFFF80  }
0x65: {  	_ =	swait.ge [sflag:s0], $0x1000  }
0x66: {  	[sflag:s0] =	ssyncset.done $0x0  }
0x67: {  	[sflag:s0] =	ssyncadd.s32 $0xFFFFF000  }
0x68: {  	_ =	swait.ge [sflag:s0], $0x1000  }
0x69: {  	[sflag:s0] =	ssyncset.done $0x0  }
0x6a: {  	[sflag:s0] =	ssyncadd.s32 $0xFFFFF000  }
0x6b: {  	_ =	swait.ge [sflag:s0], $0x1000  }
0x6c: {  	[sflag:s0] =	ssyncset.done $0x0  }
0x6d: {  	[sflag:s0] =	ssyncadd.s32 $0xFFFFF000  }
0x6e: {  	_ =	swait.ge [sflag:s0], $0x1000  }
0x6f: {  	[sflag:s0] =	ssyncset.done $0x0  }
0x70: {  	[sflag:s0] =	ssyncadd.s32 $0xFFFFF000  }
0x71: {  	_ =	swait.ge [sflag:s0], $0x1000  }
0x72: {  	[sflag:s0] =	ssyncset.done $0x0  }
0x73: {  	[sflag:s0] =	ssyncadd.s32 $0xFFFFF000  }
0x74: {  	v62 =	vld [tilespmem:$0x80];
	_ =	sdelay $0x5  }
0x75: {  	v1 =	vld [tilespmem:$0x90];
	_ =	sdelay $0x1  }
0x76: {  	v0 =	vld.idx.msk [tilespmem:v62+s12+$0x0], $0xffff;
	_ =	sdelay $0x3  }
0x77: {  	v2 =	vld [tilespmem:$0xA0]  }
0x78: {  	[tilespmem:$0x1180] =	vst v0  }
0x79: {  	v0 =	vld.idx.msk [tilespmem:v1+s12+$0x0], $0xffff;
	_ =	sdelay $0x3  }
0x7a: {  	v63 =	vld [tilespmem:$0xB0]  }
0x7b: {  	[tilespmem:$0x1190] =	vst v0  }
0x7c: {  	v0 =	vld.idx.msk [tilespmem:v2+s12+$0x0], $0xffff;
	_ =	sdelay $0x4  }
0x7d: {  	[tilespmem:$0x11A0] =	vst v0  }
0x7e: {  	v0 =	vld.idx.msk [tilespmem:v63+s12+$0x0], $0xffff;
	_ =	sdelay $0x4  }
0x7f: {  	s20 =	simm.s32 $0x1;
	s15 =	simm.s32 $0x0;
	s10 =	smov.u32 s18;
	[tilespmem:$0x11B0] =	vst v0  }
.LBB2_4:
0x80: {  	p0 =	seq.s32 s15, $0x0  }
0x81: {  	s16 =	simm.s32 @!p0 $0x1  }
0x82: {  	_ =	swait.ge @!p0 [sflag:s16], $0x4000  }
0x83: {  	[sflag:s16] =	ssyncset.done @!p0 $0x0  }
0x84: {  	[sflag:s16] =	ssyncadd.s32 @!p0 $0xFFFFC000  }
0x85: {  	_ =	swait.ge [sflag:s5], $0x80  }
0x86: {  	[sflag:s5] =	ssyncset.done $0x0  }
0x87: {  	[sflag:s5] =	ssyncadd.s32 $0xFFFFFF80  }
0x88: {  	_ =	swait.ge [sflag:s5], $0x80  }
0x89: {  	[sflag:s5] =	ssyncset.done $0x0  }
0x8a: {  	[sflag:s5] =	ssyncadd.s32 $0xFFFFFF80  }
0x8b: {  	s19 =	sshra.s32 s15, $0x2;
	v0 =	vld [tilespmem:$0x80]  }
0x8c: {  	v1 =	vld [tilespmem:s19+$0x5200]  }
0x8d: {  	v2 =	vld [tilespmem:$0x100]  }
0x8e: {  	v3 =	vld [tilespmem:$0x1180];
	_ =	sdelay $0x3  }
0x8f: {  	v1 =	vmul.f32 v2, v1  }
0x90: {  	[tilespmem:v0+s13+$0x0] =	vst.idx.msk $0xffff, v3  }
0x91: {  	[tilespmem:v0+s13+$0x0] =	vst.idx.add.f32.msk $0xffff, v1  }
0x92: {  	v0 =	vld [tilespmem:$0x90]  }
0x93: {  	v1 =	vld [tilespmem:s19+$0x5210]  }
0x94: {  	v49 =	vld [tilespmem:$0x110]  }
0x95: {  	v3 =	vld [tilespmem:$0x1190];
	_ =	sdelay $0x3  }
0x96: {  	v1 =	vmul.f32 v49, v1  }
0x97: {  	[tilespmem:v0+s13+$0x0] =	vst.idx.msk $0xffff, v3  }
0x98: {  	[tilespmem:v0+s13+$0x0] =	vst.idx.add.f32.msk $0xffff, v1  }
0x99: {  	v0 =	vld [tilespmem:$0xA0]  }
0x9a: {  	v1 =	vld [tilespmem:s19+$0x5220]  }
0x9b: {  	v50 =	vld [tilespmem:$0x120]  }
0x9c: {  	v3 =	vld [tilespmem:$0x11A0];
	_ =	sdelay $0x3  }
0x9d: {  	v1 =	vmul.f32 v50, v1  }
0x9e: {  	[tilespmem:v0+s13+$0x0] =	vst.idx.msk $0xffff, v3  }
0x9f: {  	[tilespmem:v0+s13+$0x0] =	vst.idx.add.f32.msk $0xffff, v1  }
0xa0: {  	v0 =	vld [tilespmem:$0xB0]  }
0xa1: {  	v1 =	vld [tilespmem:s19+$0x5230]  }
0xa2: {  	v51 =	vld [tilespmem:$0x130]  }
0xa3: {  	v3 =	vld [tilespmem:$0x11B0];
	_ =	sdelay $0x3  }
0xa4: {  	v1 =	vmul.f32 v51, v1  }
0xa5: {  	[tilespmem:v0+s13+$0x0] =	vst.idx.msk $0xffff, v3  }
0xa6: {  	[tilespmem:v0+s13+$0x0] =	vst.idx.add.f32.msk $0xffff, v1  }
0xa7: {  	v0 =	vld [tilespmem:$0x80];
	_ =	sdelay $0x2  }
0xa8: {  	v1 =	vld [tilespmem:s19+$0x5240]  }
0xa9: {  	v52 =	vld [tilespmem:$0x100]  }
0xaa: {  	v3 =	vld [tilespmem:$0x1180];
	v0 =	vadd.s32 $0x1000, v0;
	_ =	sdelay $0x3  }
0xab: {  	v1 =	vmul.f32 v52, v1  }
0xac: {  	[tilespmem:v0+s13+$0x0] =	vst.idx.msk $0xffff, v3  }
0xad: {  	[tilespmem:v0+s13+$0x0] =	vst.idx.add.f32.msk $0xffff, v1  }
0xae: {  	v0 =	vld [tilespmem:$0x90];
	_ =	sdelay $0x2  }
0xaf: {  	v1 =	vld [tilespmem:s19+$0x5250]  }
0xb0: {  	v53 =	vld [tilespmem:$0x110]  }
0xb1: {  	v3 =	vld [tilespmem:$0x1190];
	v0 =	vadd.s32 $0x1000, v0;
	_ =	sdelay $0x3  }
0xb2: {  	v1 =	vmul.f32 v53, v1  }
0xb3: {  	[tilespmem:v0+s13+$0x0] =	vst.idx.msk $0xffff, v3  }
0xb4: {  	[tilespmem:v0+s13+$0x0] =	vst.idx.add.f32.msk $0xffff, v1  }
0xb5: {  	v0 =	vld [tilespmem:$0xA0];
	_ =	sdelay $0x2  }
0xb6: {  	v1 =	vld [tilespmem:s19+$0x5260]  }
0xb7: {  	v54 =	vld [tilespmem:$0x120]  }
0xb8: {  	v3 =	vld [tilespmem:$0x11A0];
	v0 =	vadd.s32 $0x1000, v0;
	_ =	sdelay $0x3  }
0xb9: {  	v1 =	vmul.f32 v54, v1  }
0xba: {  	[tilespmem:v0+s13+$0x0] =	vst.idx.msk $0xffff, v3  }
0xbb: {  	[tilespmem:v0+s13+$0x0] =	vst.idx.add.f32.msk $0xffff, v1  }
0xbc: {  	v0 =	vld [tilespmem:$0xB0];
	_ =	sdelay $0x2  }
0xbd: {  	v1 =	vld [tilespmem:s19+$0x5270]  }
0xbe: {  	v55 =	vld [tilespmem:$0x130]  }
0xbf: {  	v3 =	vld [tilespmem:$0x11B0];
	v0 =	vadd.s32 $0x1000, v0;
	_ =	sdelay $0x3  }
0xc0: {  	v1 =	vmul.f32 v55, v1  }
0xc1: {  	[tilespmem:v0+s13+$0x0] =	vst.idx.msk $0xffff, v3  }
0xc2: {  	[tilespmem:v0+s13+$0x0] =	vst.idx.add.f32.msk $0xffff, v1  }
0xc3: {  	v0 =	vld [tilespmem:$0x80];
	_ =	sdelay $0x2  }
0xc4: {  	v1 =	vld [tilespmem:s19+$0x5280]  }
0xc5: {  	v56 =	vld [tilespmem:$0x100]  }
0xc6: {  	v3 =	vld [tilespmem:$0x1180];
	v0 =	vadd.s32 $0x2000, v0;
	_ =	sdelay $0x3  }
0xc7: {  	v1 =	vmul.f32 v56, v1  }
0xc8: {  	[tilespmem:v0+s13+$0x0] =	vst.idx.msk $0xffff, v3  }
0xc9: {  	[tilespmem:v0+s13+$0x0] =	vst.idx.add.f32.msk $0xffff, v1  }
0xca: {  	v0 =	vld [tilespmem:$0x90];
	_ =	sdelay $0x2  }
0xcb: {  	v1 =	vld [tilespmem:s19+$0x5290]  }
0xcc: {  	v57 =	vld [tilespmem:$0x110]  }
0xcd: {  	v3 =	vld [tilespmem:$0x1190];
	v0 =	vadd.s32 $0x2000, v0;
	_ =	sdelay $0x3  }
0xce: {  	v1 =	vmul.f32 v57, v1  }
0xcf: {  	[tilespmem:v0+s13+$0x0] =	vst.idx.msk $0xffff, v3  }
0xd0: {  	[tilespmem:v0+s13+$0x0] =	vst.idx.add.f32.msk $0xffff, v1  }
0xd1: {  	v0 =	vld [tilespmem:$0xA0];
	_ =	sdelay $0x2  }
0xd2: {  	v1 =	vld [tilespmem:s19+$0x52A0]  }
0xd3: {  	v58 =	vld [tilespmem:$0x120]  }
0xd4: {  	v3 =	vld [tilespmem:$0x11A0];
	v0 =	vadd.s32 $0x2000, v0;
	_ =	sdelay $0x3  }
0xd5: {  	v1 =	vmul.f32 v58, v1  }
0xd6: {  	[tilespmem:v0+s13+$0x0] =	vst.idx.msk $0xffff, v3  }
0xd7: {  	[tilespmem:v0+s13+$0x0] =	vst.idx.add.f32.msk $0xffff, v1  }
0xd8: {  	v0 =	vld [tilespmem:$0xB0];
	_ =	sdelay $0x2  }
0xd9: {  	v1 =	vld [tilespmem:s19+$0x52B0]  }
0xda: {  	v59 =	vld [tilespmem:$0x130]  }
0xdb: {  	v3 =	vld [tilespmem:$0x11B0];
	v0 =	vadd.s32 $0x2000, v0;
	_ =	sdelay $0x3  }
0xdc: {  	v1 =	vmul.f32 v59, v1  }
0xdd: {  	[tilespmem:v0+s13+$0x0] =	vst.idx.msk $0xffff, v3  }
0xde: {  	[tilespmem:v0+s13+$0x0] =	vst.idx.add.f32.msk $0xffff, v1  }
0xdf: {  	v0 =	vld [tilespmem:$0x80];
	_ =	sdelay $0x2  }
0xe0: {  	v1 =	vld [tilespmem:s19+$0x52C0]  }
0xe1: {  	v60 =	vld [tilespmem:$0x100]  }
0xe2: {  	v3 =	vld [tilespmem:$0x1180];
	v0 =	vadd.s32 $0x3000, v0;
	_ =	sdelay $0x3  }
0xe3: {  	v1 =	vmul.f32 v60, v1  }
0xe4: {  	[tilespmem:v0+s13+$0x0] =	vst.idx.msk $0xffff, v3  }
0xe5: {  	[tilespmem:v0+s13+$0x0] =	vst.idx.add.f32.msk $0xffff, v1  }
0xe6: {  	v0 =	vld [tilespmem:$0x90];
	_ =	sdelay $0x2  }
0xe7: {  	v1 =	vld [tilespmem:s19+$0x52D0]  }
0xe8: {  	v61 =	vld [tilespmem:$0x110]  }
0xe9: {  	v3 =	vld [tilespmem:$0x1190];
	v0 =	vadd.s32 $0x3000, v0;
	_ =	sdelay $0x3  }
0xea: {  	v1 =	vmul.f32 v61, v1  }
0xeb: {  	[tilespmem:v0+s13+$0x0] =	vst.idx.msk $0xffff, v3  }
0xec: {  	[tilespmem:v0+s13+$0x0] =	vst.idx.add.f32.msk $0xffff, v1  }
0xed: {  	v0 =	vld [tilespmem:$0xA0];
	_ =	sdelay $0x2  }
0xee: {  	v1 =	vld [tilespmem:s19+$0x52E0]  }
0xef: {  	v62 =	vld [tilespmem:$0x120]  }
0xf0: {  	v3 =	vld [tilespmem:$0x11A0];
	v0 =	vadd.s32 $0x3000, v0;
	_ =	sdelay $0x3  }
0xf1: {  	v1 =	vmul.f32 v62, v1  }
0xf2: {  	[tilespmem:v0+s13+$0x0] =	vst.idx.msk $0xffff, v3  }
0xf3: {  	[tilespmem:v0+s13+$0x0] =	vst.idx.add.f32.msk $0xffff, v1  }
0xf4: {  	v0 =	vld [tilespmem:$0xB0];
	_ =	sdelay $0x2  }
0xf5: {  	v1 =	vld [tilespmem:s19+$0x52F0]  }
0xf6: {  	v63 =	vld [tilespmem:$0x130]  }
0xf7: {  	v3 =	vld [tilespmem:$0x11B0];
	v0 =	vadd.s32 $0x3000, v0;
	_ =	sdelay $0x3  }
0xf8: {  	p0 =	seq.s32 s15, $0xF800;
	v1 =	vmul.f32 v63, v1  }
0xf9: {  	p1 =	seq.s32 @!p0 s15, $0x0;
	[tilespmem:v0+s13+$0x0] =	vst.idx.msk $0xffff, v3  }
0xfa: {  	p1 =	por p0, !p1;
	[tilespmem:v0+s13+$0x0] =	vst.idx.add.f32.msk $0xffff, v1  }
0xfb: {  	[hbm4b:s10+s6] =	stream.linear.scatter [tilespmem:s13], [sflag:$0x1], $0x4000, $0x38;
	[tilespmem:$0x11200] =	vst v63  }
.Ltmp3:
0xfc: {  	s16 =	sshra.s32 @!p0 s15, $0x2;
	(pc) =	sbr.rel @!p1 .LBB2_6-.Ltmp3, $4  }
0xfd: {  	s25 =	simm.s32 @!p0 $0x80;
	s23 =	sadd.s32 @!p0 $0x5400, s16;
	s24 =	sadd.s32 @!p0 $0x1400, s16  }
0xfe: {  	[tilespmem:s23], [sflag:$0x3] =	stream.indirect.gather @!p0 [hbm4b:s1+s25], $0x1, s24, s25, $0xb8;
	[tilespmem:$0x11200] =	vst v63  }
0xff: {  	s23 =	sadd.s32 @!p0 $0x5480, s16;
	s16 =	sadd.s32 @!p0 $0x1480, s16  }
0x100: {  	[tilespmem:s23], [sflag:$0x3] =	stream.indirect.gather @!p0 [hbm4b:s1+s25], $0x1, s16, s25, $0xb8;
	[tilespmem:$0x11200] =	vst v63  }
.Ltmp4:
0x101: {  	(pc) =	sbr.rel .LBB2_7-.Ltmp4, $4  }
0x102: {  	_ = 	snop  }
0x103: {  	_ =	swait.ge [sflag:s2], $0x4000  }
0x104: {  	s16 =	smov.u32 s20;
	[sflag:s2] =	ssyncset.done $0x0  }
0x105: {  	s16 =	simm.s32 @p0 $0x3F;
	[sflag:s2] =	ssyncadd.s32 $0xFFFFC000  }
.LBB2_6:
0x106: {  	_ =	swait.ge [sflag:s2], $0x1000  }
0x107: {  	[sflag:s2] =	ssyncset.done $0x0  }
0x108: {  	[sflag:s2] =	ssyncadd.s32 $0xFFFFF000  }
0x109: {  	_ =	swait.ge [sflag:s2], $0x1000  }
0x10a: {  	[sflag:s2] =	ssyncset.done $0x0  }
0x10b: {  	[sflag:s2] =	ssyncadd.s32 $0xFFFFF000  }
0x10c: {  	_ =	swait.ge [sflag:s2], $0x1000  }
0x10d: {  	[sflag:s2] =	ssyncset.done $0x0  }
0x10e: {  	[sflag:s2] =	ssyncadd.s32 $0xFFFFF000  }
0x10f: {  	_ =	swait.ge [sflag:s2], $0x1000  }
0x110: {  	[sflag:s2] =	ssyncset.done $0x0  }
0x111: {  	s16 =	smov.u32 s20;
	[sflag:s2] =	ssyncadd.s32 $0xFFFFF000  }
.LBB2_7:
0x112: {  	_ =	swait.ge [sflag:s3], $0x80  }
0x113: {  	[sflag:s3] =	ssyncset.done $0x0  }
0x114: {  	[sflag:s3] =	ssyncadd.s32 $0xFFFFFF80  }
0x115: {  	_ =	swait.ge [sflag:s3], $0x80  }
0x116: {  	[sflag:s3] =	ssyncset.done $0x0  }
0x117: {  	s23 =	sshll.u32 s16, $0xA;
	[sflag:s3] =	ssyncadd.s32 $0xFFFFFF80  }
0x118: {  	s23 =	sshra.s32 s23, $0x2;
	v0 =	vld [tilespmem:$0x80]  }
0x119: {  	v1 =	vld [tilespmem:s23+$0x5200]  }
0x11a: {  	v2 =	vld [tilespmem:$0x100]  }
0x11b: {  	v3 =	vld [tilespmem:$0x1180];
	_ =	sdelay $0x3  }
0x11c: {  	v1 =	vmul.f32 v2, v1  }
0x11d: {  	[tilespmem:v0+s17+$0x0] =	vst.idx.msk $0xffff, v3  }
0x11e: {  	[tilespmem:v0+s17+$0x0] =	vst.idx.add.f32.msk $0xffff, v1  }
0x11f: {  	v0 =	vld [tilespmem:$0x90]  }
0x120: {  	v1 =	vld [tilespmem:s23+$0x5210]  }
0x121: {  	v49 =	vld [tilespmem:$0x110]  }
0x122: {  	v3 =	vld [tilespmem:$0x1190];
	_ =	sdelay $0x3  }
0x123: {  	v1 =	vmul.f32 v49, v1  }
0x124: {  	[tilespmem:v0+s17+$0x0] =	vst.idx.msk $0xffff, v3  }
0x125: {  	[tilespmem:v0+s17+$0x0] =	vst.idx.add.f32.msk $0xffff, v1  }
0x126: {  	v0 =	vld [tilespmem:$0xA0]  }
0x127: {  	v1 =	vld [tilespmem:s23+$0x5220]  }
0x128: {  	v50 =	vld [tilespmem:$0x120]  }
0x129: {  	v3 =	vld [tilespmem:$0x11A0];
	_ =	sdelay $0x3  }
0x12a: {  	v1 =	vmul.f32 v50, v1  }
0x12b: {  	[tilespmem:v0+s17+$0x0] =	vst.idx.msk $0xffff, v3  }
0x12c: {  	[tilespmem:v0+s17+$0x0] =	vst.idx.add.f32.msk $0xffff, v1  }
0x12d: {  	v0 =	vld [tilespmem:$0xB0]  }
0x12e: {  	v1 =	vld [tilespmem:s23+$0x5230]  }
0x12f: {  	v51 =	vld [tilespmem:$0x130]  }
0x130: {  	v3 =	vld [tilespmem:$0x11B0];
	_ =	sdelay $0x3  }
0x131: {  	v1 =	vmul.f32 v51, v1  }
0x132: {  	[tilespmem:v0+s17+$0x0] =	vst.idx.msk $0xffff, v3  }
0x133: {  	[tilespmem:v0+s17+$0x0] =	vst.idx.add.f32.msk $0xffff, v1  }
0x134: {  	v0 =	vld [tilespmem:$0x80];
	_ =	sdelay $0x2  }
0x135: {  	v1 =	vld [tilespmem:s23+$0x5240]  }
0x136: {  	v52 =	vld [tilespmem:$0x100]  }
0x137: {  	v3 =	vld [tilespmem:$0x1180];
	v0 =	vadd.s32 $0x1000, v0;
	_ =	sdelay $0x3  }
0x138: {  	v1 =	vmul.f32 v52, v1  }
0x139: {  	[tilespmem:v0+s17+$0x0] =	vst.idx.msk $0xffff, v3  }
0x13a: {  	[tilespmem:v0+s17+$0x0] =	vst.idx.add.f32.msk $0xffff, v1  }
0x13b: {  	v0 =	vld [tilespmem:$0x90];
	_ =	sdelay $0x2  }
0x13c: {  	v1 =	vld [tilespmem:s23+$0x5250]  }
0x13d: {  	v53 =	vld [tilespmem:$0x110]  }
0x13e: {  	v3 =	vld [tilespmem:$0x1190];
	v0 =	vadd.s32 $0x1000, v0;
	_ =	sdelay $0x3  }
0x13f: {  	v1 =	vmul.f32 v53, v1  }
0x140: {  	[tilespmem:v0+s17+$0x0] =	vst.idx.msk $0xffff, v3  }
0x141: {  	[tilespmem:v0+s17+$0x0] =	vst.idx.add.f32.msk $0xffff, v1  }
0x142: {  	v0 =	vld [tilespmem:$0xA0];
	_ =	sdelay $0x2  }
0x143: {  	v1 =	vld [tilespmem:s23+$0x5260]  }
0x144: {  	v54 =	vld [tilespmem:$0x120]  }
0x145: {  	v3 =	vld [tilespmem:$0x11A0];
	v0 =	vadd.s32 $0x1000, v0;
	_ =	sdelay $0x3  }
0x146: {  	v1 =	vmul.f32 v54, v1  }
0x147: {  	[tilespmem:v0+s17+$0x0] =	vst.idx.msk $0xffff, v3  }
0x148: {  	[tilespmem:v0+s17+$0x0] =	vst.idx.add.f32.msk $0xffff, v1  }
0x149: {  	v0 =	vld [tilespmem:$0xB0];
	_ =	sdelay $0x2  }
0x14a: {  	v1 =	vld [tilespmem:s23+$0x5270]  }
0x14b: {  	v55 =	vld [tilespmem:$0x130]  }
0x14c: {  	v3 =	vld [tilespmem:$0x11B0];
	v0 =	vadd.s32 $0x1000, v0;
	_ =	sdelay $0x3  }
0x14d: {  	v1 =	vmul.f32 v55, v1  }
0x14e: {  	[tilespmem:v0+s17+$0x0] =	vst.idx.msk $0xffff, v3  }
0x14f: {  	[tilespmem:v0+s17+$0x0] =	vst.idx.add.f32.msk $0xffff, v1  }
0x150: {  	v0 =	vld [tilespmem:$0x80];
	_ =	sdelay $0x2  }
0x151: {  	v1 =	vld [tilespmem:s23+$0x5280]  }
0x152: {  	v56 =	vld [tilespmem:$0x100]  }
0x153: {  	v3 =	vld [tilespmem:$0x1180];
	v0 =	vadd.s32 $0x2000, v0;
	_ =	sdelay $0x3  }
0x154: {  	v1 =	vmul.f32 v56, v1  }
0x155: {  	[tilespmem:v0+s17+$0x0] =	vst.idx.msk $0xffff, v3  }
0x156: {  	[tilespmem:v0+s17+$0x0] =	vst.idx.add.f32.msk $0xffff, v1  }
0x157: {  	v0 =	vld [tilespmem:$0x90];
	_ =	sdelay $0x2  }
0x158: {  	v1 =	vld [tilespmem:s23+$0x5290]  }
0x159: {  	v57 =	vld [tilespmem:$0x110]  }
0x15a: {  	v3 =	vld [tilespmem:$0x1190];
	v0 =	vadd.s32 $0x2000, v0;
	_ =	sdelay $0x3  }
0x15b: {  	v1 =	vmul.f32 v57, v1  }
0x15c: {  	[tilespmem:v0+s17+$0x0] =	vst.idx.msk $0xffff, v3  }
0x15d: {  	[tilespmem:v0+s17+$0x0] =	vst.idx.add.f32.msk $0xffff, v1  }
0x15e: {  	v0 =	vld [tilespmem:$0xA0];
	_ =	sdelay $0x2  }
0x15f: {  	v1 =	vld [tilespmem:s23+$0x52A0]  }
0x160: {  	v58 =	vld [tilespmem:$0x120]  }
0x161: {  	v3 =	vld [tilespmem:$0x11A0];
	v0 =	vadd.s32 $0x2000, v0;
	_ =	sdelay $0x3  }
0x162: {  	v1 =	vmul.f32 v58, v1  }
0x163: {  	[tilespmem:v0+s17+$0x0] =	vst.idx.msk $0xffff, v3  }
0x164: {  	[tilespmem:v0+s17+$0x0] =	vst.idx.add.f32.msk $0xffff, v1  }
0x165: {  	v0 =	vld [tilespmem:$0xB0];
	_ =	sdelay $0x2  }
0x166: {  	v1 =	vld [tilespmem:s23+$0x52B0]  }
0x167: {  	v59 =	vld [tilespmem:$0x130]  }
0x168: {  	v3 =	vld [tilespmem:$0x11B0];
	v0 =	vadd.s32 $0x2000, v0;
	_ =	sdelay $0x3  }
0x169: {  	v1 =	vmul.f32 v59, v1  }
0x16a: {  	[tilespmem:v0+s17+$0x0] =	vst.idx.msk $0xffff, v3  }
0x16b: {  	[tilespmem:v0+s17+$0x0] =	vst.idx.add.f32.msk $0xffff, v1  }
0x16c: {  	v0 =	vld [tilespmem:$0x80];
	_ =	sdelay $0x2  }
0x16d: {  	v1 =	vld [tilespmem:s23+$0x52C0]  }
0x16e: {  	v60 =	vld [tilespmem:$0x100]  }
0x16f: {  	v3 =	vld [tilespmem:$0x1180];
	v0 =	vadd.s32 $0x3000, v0;
	_ =	sdelay $0x3  }
0x170: {  	v1 =	vmul.f32 v60, v1  }
0x171: {  	[tilespmem:v0+s17+$0x0] =	vst.idx.msk $0xffff, v3  }
0x172: {  	[tilespmem:v0+s17+$0x0] =	vst.idx.add.f32.msk $0xffff, v1  }
0x173: {  	v0 =	vld [tilespmem:$0x90];
	_ =	sdelay $0x2  }
0x174: {  	v1 =	vld [tilespmem:s23+$0x52D0]  }
0x175: {  	v61 =	vld [tilespmem:$0x110]  }
0x176: {  	v3 =	vld [tilespmem:$0x1190];
	v0 =	vadd.s32 $0x3000, v0;
	_ =	sdelay $0x3  }
0x177: {  	v1 =	vmul.f32 v61, v1  }
0x178: {  	[tilespmem:v0+s17+$0x0] =	vst.idx.msk $0xffff, v3  }
0x179: {  	[tilespmem:v0+s17+$0x0] =	vst.idx.add.f32.msk $0xffff, v1  }
0x17a: {  	v0 =	vld [tilespmem:$0xA0];
	_ =	sdelay $0x2  }
0x17b: {  	v1 =	vld [tilespmem:s23+$0x52E0]  }
0x17c: {  	v62 =	vld [tilespmem:$0x120]  }
0x17d: {  	v3 =	vld [tilespmem:$0x11A0];
	v0 =	vadd.s32 $0x3000, v0;
	_ =	sdelay $0x3  }
0x17e: {  	v1 =	vmul.f32 v62, v1  }
0x17f: {  	[tilespmem:v0+s17+$0x0] =	vst.idx.msk $0xffff, v3  }
0x180: {  	[tilespmem:v0+s17+$0x0] =	vst.idx.add.f32.msk $0xffff, v1  }
0x181: {  	v0 =	vld [tilespmem:$0xB0];
	_ =	sdelay $0x2  }
0x182: {  	v1 =	vld [tilespmem:s23+$0x52F0]  }
0x183: {  	v63 =	vld [tilespmem:$0x130]  }
0x184: {  	v3 =	vld [tilespmem:$0x11B0];
	v0 =	vadd.s32 $0x3000, v0;
	_ =	sdelay $0x2  }
.Ltmp5:
0x185: {  	_ = 	snop;
	(pc) =	sbr.rel @p0 .LBB2_9-.Ltmp5, $4  }
0x186: {  	v1 =	vmul.f32 v63, v1  }
0x187: {  	s25 =	sshll.u32 s16, $0xB;
	[tilespmem:v0+s17+$0x0] =	vst.idx.msk $0xffff, v3  }
0x188: {  	s16 =	sadd.s32 s25, s7;
	[tilespmem:v0+s17+$0x0] =	vst.idx.add.f32.msk $0xffff, v1  }
0x189: {  	[hbm4b:s16+s6] =	stream.linear.scatter [tilespmem:s17], [sflag:$0x2], $0x4000, $0x38;
	[tilespmem:$0x11200] =	vst v63  }
.Ltmp6:
0x18a: {  	s16 =	sadd.s32 $0x5500, s19;
	(pc) =	sbr.rel .LBB2_4-.Ltmp6, $4  }
0x18b: {  	s23 =	sadd.s32 $0x1500, s19;
	s24 =	sadd.s32 $0x5580, s19;
	s25 =	sadd.s32 $0x1580, s19  }
0x18c: {  	[tilespmem:s16], [sflag:$0x4] =	stream.indirect.gather [hbm4b:s1+s22], $0x1, s23, s22, $0xb8;
	[tilespmem:$0x11200] =	vst v63  }
0x18d: {  	s15 =	sadd.s32 $0x800, s15;
	s10 =	sadd.s32 $0x1000, s10;
	s20 =	sadd.s32 $0x2, s20  }
0x18e: {  	[tilespmem:s24], [sflag:$0x4] =	stream.indirect.gather [hbm4b:s1+s22], $0x1, s25, s22, $0xb8;
	[tilespmem:$0x11200] =	vst v63  }
.LBB2_10:
0x18f: {  	_ =	sfence.sel $0x180000  }
0x190: {  	[bflag:$0x0] =	sbarrier.arrive $0xFFFF  }
0x191: {  	_ =	strace $0x90000047  }
0x192: {  	s0 =	stileid.u32;
	[bflag:$0x2] =	sbarrier.arrive $0xFFFF  }
0x193: {  	p0 =	sne.s32 s0, $0x0;
	s0 =	rddreg [dreg:$0x5]  }
0x194: {  	s0 =	sadd.s32 @!p0 $0x100000, s0  }
0x195: {  	[sflag:s0] =	ssyncadd.tile.s32 @!p0 $0x1;
	_ =	shalt  }
.Lfunc_end2:
_tile_overlayer_lowered:
.L_overlay_start_2:
0x196: {  	(tag) =	ssettag $0x2  }
0x197: {  	s0 =	rddreg [dreg:$0x0];
	s2 =	stileid.u32  }
0x198: {  	s1 =	rddreg [dreg:$0x1];
	p0 =	sne.s32 s2, $0x0  }
0x199: {  	s3 =	rddreg [dreg:$0x2];
	[bflag:$0x3] =	sbarrier.arrive $0xFFFF;
	s2 =	simm.s32 @!p0 $0x1C06  }
0x19a: {  	[timem:s3], [sflag:s2] =	dma.local @!p0 [hbm:s0], s1  }
0x19b: {  	s0 =	simm.s32 @!p0 $0x6  }
0x19c: {  	_ =	swait.ge @!p0 [sflag:s0], s1  }
0x19d: {  	s1 =	ssub.s32 @!p0 $0x0, s1;
	[sflag:s0] =	ssyncset.done @!p0 $0x0  }
0x19e: {  	[sflag:s0] =	ssyncadd.s32 @!p0 s1  }
0x19f: {  	[bflag:$0x3] =	sbarrier.arrive $0xFFFF  }
0x1a0: {  	_ =	shalt  }

</sc_bundles>
